<compile_context>
chip_gen: v7x
topology: tpu7x:2x2x1
jax: 0.10.2.dev20260603
libtpu: 0.0.44.dev20260713+nightly
codegen_flags: <defaults>
</compile_context>

<pallas_src>
import functools

import jax
import jax.numpy as jnp
from jax import lax
from jax.experimental import pallas as pl
from jax.experimental.pallas import tpu as pltpu
from jax.experimental.pallas import tpu_sc as plsc

D_MODEL = 64
BBLK = 128
TPAD = 129


@functools.cache
def _build(n_s, n_bblk, nc, n_rec):

    mesh = plsc.VectorSubcoreMesh(core_axis_name="c", subcore_axis_name="s")

    @functools.partial(
        pl.kernel,
        mesh=mesh,
        out_type=jax.ShapeDtypeStruct((n_s, 8, n_bblk, 8, BBLK), jnp.float32),
        compiler_params=pltpu.CompilerParams(
            use_tc_tiling_on_sc=False,
            needs_layout_passes=False,
            skip_device_barrier=True,
            disable_bounds_checks=True,
            disable_semaphore_checks=True,
        ),
        scratch_types=[
            pltpu.VMEM((n_s, BBLK), jnp.int32),
            pltpu.VMEM((4, BBLK, D_MODEL), jnp.float32),
            pltpu.VMEM((4, 8, 8, TPAD), jnp.float32),
            pltpu.SemaphoreType.DMA,
            pltpu.SemaphoreType.DMA,
        ],
    )
    def emb_kernel(table_hbm, rows_hbm, out_hbm, rows_v, g_v, t_v, gsem, ssem):
        wid = lax.axis_index("s") * nc + lax.axis_index("c")

        pltpu.sync_copy(rows_hbm.at[:, pl.ds(wid * BBLK, BBLK)], rows_v)

        iota = lax.iota(jnp.int32, 16)

        for p in range(3):
            pltpu.async_copy(table_hbm.at[rows_v.at[p]], g_v.at[p], gsem)

        def s_body(s, _):
            gb = s & 3

            pltpu.make_async_copy(
                table_hbm.at[rows_v.at[s]], g_v.at[gb], gsem
            ).wait()

            @pl.when(s + 3 < n_s)
            def _prefetch():
                pltpu.async_copy(
                    table_hbm.at[rows_v.at[s + 3]], g_v.at[(s + 3) & 3], gsem
                )

            @pl.when(s >= 4)
            def _wait_store():
                pltpu.make_async_copy(
                    t_v.at[0, :, :, pl.ds(0, BBLK)],
                    out_hbm.at[0, :, wid],
                    ssem,
                ).wait()

            def load_row(bi):
                return tuple(
                    g_v[gb, bi, pl.ds(d0 * 16, 16)] for d0 in range(4)
                )

            def bi_body(bi, xs):
                nxt = load_row(bi + 1)
                bvec = jnp.full((16,), bi, jnp.int32)
                for d0 in range(4):
                    d = d0 * 16 + iota
                    plsc.store_scatter(
                        t_v.at[gb], [d >> 3, d & 7, bvec], xs[d0]
                    )
                return nxt

            last = lax.fori_loop(0, BBLK - 1, bi_body, load_row(0), unroll=4)
            bvec_l = jnp.full((16,), BBLK - 1, jnp.int32)
            for d0 in range(4):
                d = d0 * 16 + iota
                plsc.store_scatter(
                    t_v.at[gb], [d >> 3, d & 7, bvec_l], last[d0]
                )

            pltpu.async_copy(
                t_v.at[gb, :, :, pl.ds(0, BBLK)],
                out_hbm.at[s, :, wid],
                ssem,
            )
            return 0

        lax.fori_loop(0, n_s, s_body, 0)

        for _ in range(4):
            pltpu.make_async_copy(
                t_v.at[0, :, :, pl.ds(0, BBLK)], out_hbm.at[0, :, wid], ssem
            ).wait()

    return emb_kernel


def kernel(gene_ids, weight):
    B, S = gene_ids.shape
    V, D = weight.shape
    assert D == D_MODEL and B % BBLK == 0

    info = plsc.get_sparse_core_info()
    nc, ns = info.num_cores, info.num_subcores
    nw = nc * ns
    assert B // BBLK == nw

    rows_t = jnp.clip(gene_ids.T.astype(jnp.int32), 0, V - 1)

    w2 = lax.optimization_barrier(weight.reshape(V // 2, 2 * D_MODEL))
    table = w2.reshape(V, D_MODEL)

    out_phys = _build(S, nw, nc, V)(table, rows_t)
    return (
        out_phys.transpose(2, 4, 0, 1, 3).reshape(B, S, D)
    )

# --- scband reference (transcript-rebuilt; emitter-appended) ---
"""Pipeline reference for scband-gene-embedding-67456756351505 (READ-ONLY COPY).

The authoritative reference and input builder live on the scoring server;
editing this copy changes nothing except your own understanding.
"""

import jax, jax.numpy as jnp
import numpy as np

VOCAB_SIZE = 1000000
D_MODEL = 64
PADDING_IDX = 0

def setup_inputs(seed: int = 0) -> dict:
    key = jax.random.key(seed)
    k_ids, k_w = jax.random.split(key)
    gene_ids = jax.random.randint(k_ids, (4096, 200), 0, VOCAB_SIZE, dtype=jnp.int64 if jax.config.jax_enable_x64 else jnp.int32)
    weight = jax.random.normal(k_w, (VOCAB_SIZE, D_MODEL), dtype=jnp.float32) * 0.02
    weight = weight.at[PADDING_IDX].set(0.0)
    return {"gene_ids": gene_ids, "weight": weight}

def reference(gene_ids, weight):
    # nn.Embedding forward: simple row gather from the table
    return jnp.take(weight, gene_ids, axis=0)

if __name__ == "__main__":
    import jax
    _d = setup_inputs()
    print(jax.jit(kernel)(*tuple(_d.values())))

</pallas_src>

<mosaic_0001>
#map = affine_map<(d0, d1) -> (0, 0)>
#map1 = affine_map<(d0, d1) -> (0, 0, 0, 0, 0)>
module attributes {stable_mosaic.version = 14 : i64} {
  func.func @emb_kernel(%arg0: i32, %arg1: i32, %arg2: memref<1000000x64xf32, #tpu.memory_space<hbm>>, %arg3: memref<200x4096xi32, #tpu.memory_space<hbm>>, %arg4: memref<200x8x32x8x128xf32, #tpu.memory_space<hbm>>, %arg5: memref<200x128xi32, #tpu.memory_space<vmem>>, %arg6: memref<4x128x64xf32, #tpu.memory_space<vmem>>, %arg7: memref<4x8x8x129xf32, #tpu.memory_space<vmem>>, %arg8: memref<!tpu.dma_semaphore, #tpu.memory_space<semaphore_mem>>, %arg9: memref<!tpu.dma_semaphore, #tpu.memory_space<semaphore_mem>>) attributes {dimension_semantics = [#tpu.dimension_semantics<core_parallel>, #tpu.dimension_semantics<subcore_parallel>], iteration_bounds = array<i64: 2, 16>, scalar_prefetch = 0 : i64, scratch_operands = 5 : i64, tpu.core_type = #tpu.core_type<sc_vector_subcore>, window_params = [{transform_indices = #map}, {transform_indices = #map}, {transform_indices = #map1}]} {
    %mul3A = arith.constant 2 : i32
    %mul3A_0 = arith.muli %arg1, %mul3A : i32
    %add3A = arith.addi %mul3A_0, %arg0 : i32
    %mul3A_1 = arith.constant 128 : i32
    %mul3A_2 = arith.muli %add3A, %mul3A_1 : i32
    "tpu.region"() ({
      %run_scoped3A = tpu.sem_alloc : memref<!tpu.dma_semaphore, #tpu.memory_space<semaphore_mem>>
      %dma_start3A_131 = arith.constant 0 : i32
      %dma_start3A_132 = tpu.memref_slice %arg3[%dma_start3A_131, %mul3A_2] : memref<200x4096xi32, #tpu.memory_space<hbm>> -> memref<200x128xi32, #tpu.memory_space<hbm>>
      %dma_start3A_133 = arith.constant 0 : i32
      %dma_start3A_134 = tpu.memref_slice %arg3[%dma_start3A_133, %mul3A_2] : memref<200x4096xi32, #tpu.memory_space<hbm>> -> memref<200x128xi32, #tpu.memory_space<hbm>>
      tpu.enqueue_dma source(%dma_start3A_134 : memref<200x128xi32, #tpu.memory_space<hbm>>) target(%arg5 : memref<200x128xi32, #tpu.memory_space<vmem>>) target_semaphore(%run_scoped3A : memref<!tpu.dma_semaphore, #tpu.memory_space<semaphore_mem>>)
      %dma_wait3A_135 = arith.constant 0 : i32
      %dma_wait3A_136 = tpu.memref_slice %arg3[%dma_wait3A_135, %mul3A_2] : memref<200x4096xi32, #tpu.memory_space<hbm>> -> memref<200x128xi32, #tpu.memory_space<hbm>>
      %dma_wait3A_137 = arith.constant 0 : i32
      %dma_wait3A_138 = tpu.memref_slice %arg3[%dma_wait3A_137, %mul3A_2] : memref<200x4096xi32, #tpu.memory_space<hbm>> -> memref<200x128xi32, #tpu.memory_space<hbm>>
      tpu.wait_dma2 semaphore(%run_scoped3A : memref<!tpu.dma_semaphore, #tpu.memory_space<semaphore_mem>>) src(%dma_wait3A_138 : memref<200x128xi32, #tpu.memory_space<hbm>>) dst(%arg5 : memref<200x128xi32, #tpu.memory_space<vmem>>)
      tpu.yield
    }) : () -> ()
    %iota3A = tpu.iota {dimensions = array<i32: 0>} : vector<16xi32>
    %dma_start3A = arith.constant 0 : i32
    %dma_start3A_3 = arith.constant 0 : i32
    %dma_start3A_4 = arith.constant 0 : i32
    %dma_start3A_5 = arith.constant 0 : i32
    %dma_start3A_6 = tpu.memref_slice %arg6[%dma_start3A_3, %dma_start3A_4, %dma_start3A_5] : memref<4x128x64xf32, #tpu.memory_space<vmem>> -> memref<1x128x64xf32, #tpu.memory_space<vmem>>
    %dma_start3A_7 = tpu.memref_squeeze %dma_start3A_6 : memref<1x128x64xf32, #tpu.memory_space<vmem>> -> memref<128x64xf32, #tpu.memory_space<vmem>>
    %dma_start3A_8 = arith.constant 0 : i32
    %dma_start3A_9 = tpu.memref_slice %arg5[%dma_start3A, %dma_start3A_8] : memref<200x128xi32, #tpu.memory_space<vmem>> -> memref<1x128xi32, #tpu.memory_space<vmem>>
    %dma_start3A_10 = tpu.memref_squeeze %dma_start3A_9 : memref<1x128xi32, #tpu.memory_space<vmem>> -> memref<128xi32, #tpu.memory_space<vmem>>
    %dma_start3A_11 = arith.constant 0 : i32
    %dma_start3A_12 = arith.constant 0 : i32
    %dma_start3A_13 = tpu.memref_slice %arg2[%dma_start3A_11, %dma_start3A_12] : memref<1000000x64xf32, #tpu.memory_space<hbm>> -> memref<1000000x64xf32, #tpu.memory_space<hbm>>
    tpu.enqueue_indirect_dma source(%dma_start3A_13 : memref<1000000x64xf32, #tpu.memory_space<hbm>>) target(%dma_start3A_7 : memref<128x64xf32, #tpu.memory_space<vmem>>) offsets(%dma_start3A_10 : memref<128xi32, #tpu.memory_space<vmem>>) semaphore(%arg8 : memref<!tpu.dma_semaphore, #tpu.memory_space<semaphore_mem>>)
    %dma_start3A_14 = arith.constant 1 : i32
    %dma_start3A_15 = arith.constant 1 : i32
    %dma_start3A_16 = arith.constant 0 : i32
    %dma_start3A_17 = arith.constant 0 : i32
    %dma_start3A_18 = tpu.memref_slice %arg6[%dma_start3A_15, %dma_start3A_16, %dma_start3A_17] : memref<4x128x64xf32, #tpu.memory_space<vmem>> -> memref<1x128x64xf32, #tpu.memory_space<vmem>>
    %dma_start3A_19 = tpu.memref_squeeze %dma_start3A_18 : memref<1x128x64xf32, #tpu.memory_space<vmem>> -> memref<128x64xf32, #tpu.memory_space<vmem>>
    %dma_start3A_20 = arith.constant 0 : i32
    %dma_start3A_21 = tpu.memref_slice %arg5[%dma_start3A_14, %dma_start3A_20] : memref<200x128xi32, #tpu.memory_space<vmem>> -> memref<1x128xi32, #tpu.memory_space<vmem>>
    %dma_start3A_22 = tpu.memref_squeeze %dma_start3A_21 : memref<1x128xi32, #tpu.memory_space<vmem>> -> memref<128xi32, #tpu.memory_space<vmem>>
    %dma_start3A_23 = arith.constant 0 : i32
    %dma_start3A_24 = arith.constant 0 : i32
    %dma_start3A_25 = tpu.memref_slice %arg2[%dma_start3A_23, %dma_start3A_24] : memref<1000000x64xf32, #tpu.memory_space<hbm>> -> memref<1000000x64xf32, #tpu.memory_space<hbm>>
    tpu.enqueue_indirect_dma source(%dma_start3A_25 : memref<1000000x64xf32, #tpu.memory_space<hbm>>) target(%dma_start3A_19 : memref<128x64xf32, #tpu.memory_space<vmem>>) offsets(%dma_start3A_22 : memref<128xi32, #tpu.memory_space<vmem>>) semaphore(%arg8 : memref<!tpu.dma_semaphore, #tpu.memory_space<semaphore_mem>>)
    %dma_start3A_26 = arith.constant 2 : i32
    %dma_start3A_27 = arith.constant 2 : i32
    %dma_start3A_28 = arith.constant 0 : i32
    %dma_start3A_29 = arith.constant 0 : i32
    %dma_start3A_30 = tpu.memref_slice %arg6[%dma_start3A_27, %dma_start3A_28, %dma_start3A_29] : memref<4x128x64xf32, #tpu.memory_space<vmem>> -> memref<1x128x64xf32, #tpu.memory_space<vmem>>
    %dma_start3A_31 = tpu.memref_squeeze %dma_start3A_30 : memref<1x128x64xf32, #tpu.memory_space<vmem>> -> memref<128x64xf32, #tpu.memory_space<vmem>>
    %dma_start3A_32 = arith.constant 0 : i32
    %dma_start3A_33 = tpu.memref_slice %arg5[%dma_start3A_26, %dma_start3A_32] : memref<200x128xi32, #tpu.memory_space<vmem>> -> memref<1x128xi32, #tpu.memory_space<vmem>>
    %dma_start3A_34 = tpu.memref_squeeze %dma_start3A_33 : memref<1x128xi32, #tpu.memory_space<vmem>> -> memref<128xi32, #tpu.memory_space<vmem>>
    %dma_start3A_35 = arith.constant 0 : i32
    %dma_start3A_36 = arith.constant 0 : i32
    %dma_start3A_37 = tpu.memref_slice %arg2[%dma_start3A_35, %dma_start3A_36] : memref<1000000x64xf32, #tpu.memory_space<hbm>> -> memref<1000000x64xf32, #tpu.memory_space<hbm>>
    tpu.enqueue_indirect_dma source(%dma_start3A_37 : memref<1000000x64xf32, #tpu.memory_space<hbm>>) target(%dma_start3A_31 : memref<128x64xf32, #tpu.memory_space<vmem>>) offsets(%dma_start3A_34 : memref<128xi32, #tpu.memory_space<vmem>>) semaphore(%arg8 : memref<!tpu.dma_semaphore, #tpu.memory_space<semaphore_mem>>)
    %scan3A = arith.constant 0 : i32
    %scan3A_38 = arith.constant 0 : i32
    %scan3A_39 = arith.constant 200 : i32
    %scan3A_40 = arith.addi %scan3A_38, %scan3A_39 : i32
    %scan3A_41 = arith.constant 1 : i32
    %scan3A_42 = scf.for %scan3A_131 = %scan3A_38 to %scan3A_40 step %scan3A_41 iter_args(%scan3A_132 = %scan3A) -> (i32)  : i32 {
      %and3A = arith.constant 3 : i32
      %and3A_133 = arith.andi %scan3A_131, %and3A : i32
      %dma_wait3A_134 = arith.constant 0 : i32
      %dma_wait3A_135 = arith.constant 0 : i32
      %dma_wait3A_136 = tpu.memref_slice %arg6[%and3A_133, %dma_wait3A_134, %dma_wait3A_135] : memref<4x128x64xf32, #tpu.memory_space<vmem>> -> memref<1x128x64xf32, #tpu.memory_space<vmem>>
      %dma_wait3A_137 = tpu.memref_squeeze %dma_wait3A_136 : memref<1x128x64xf32, #tpu.memory_space<vmem>> -> memref<128x64xf32, #tpu.memory_space<vmem>>
      %dma_wait3A_138 = arith.constant 0 : i32
      %dma_wait3A_139 = tpu.memref_slice %arg5[%scan3A_131, %dma_wait3A_138] : memref<200x128xi32, #tpu.memory_space<vmem>> -> memref<1x128xi32, #tpu.memory_space<vmem>>
      %dma_wait3A_140 = tpu.memref_squeeze %dma_wait3A_139 : memref<1x128xi32, #tpu.memory_space<vmem>> -> memref<128xi32, #tpu.memory_space<vmem>>
      %dma_wait3A_141 = arith.constant 0 : i32
      %dma_wait3A_142 = arith.constant 0 : i32
      %dma_wait3A_143 = tpu.memref_slice %arg2[%dma_wait3A_141, %dma_wait3A_142] : memref<1000000x64xf32, #tpu.memory_space<hbm>> -> memref<1000000x64xf32, #tpu.memory_space<hbm>>
      tpu.wait_indirect_dma semaphore(%arg8 : memref<!tpu.dma_semaphore, #tpu.memory_space<semaphore_mem>>) src(%dma_wait3A_143 : memref<1000000x64xf32, #tpu.memory_space<hbm>>) dst(%dma_wait3A_137 : memref<128x64xf32, #tpu.memory_space<vmem>>)
      %add3A_144 = arith.constant 3 : i32
      %add3A_145 = arith.addi %scan3A_131, %add3A_144 : i32
      %lt3A = arith.constant 200 : i32
      %lt3A_146 = arith.cmpi slt, %add3A_145, %lt3A : i32
      %convert_element_type3A = arith.extui %lt3A_146 : i1 to i32
      %cond3A = arith.constant 0 : i32
      %cond3A_147 = arith.cmpi ne, %convert_element_type3A, %cond3A : i32
      scf.if %cond3A_147 {
        %add3A_484 = arith.constant 3 : i32
        %add3A_485 = arith.addi %scan3A_131, %add3A_484 : i32
        %add3A_486 = arith.constant 3 : i32
        %add3A_487 = arith.addi %scan3A_131, %add3A_486 : i32
        %and3A_488 = arith.constant 3 : i32
        %and3A_489 = arith.andi %add3A_487, %and3A_488 : i32
        %dma_start3A_490 = arith.constant 0 : i32
        %dma_start3A_491 = arith.constant 0 : i32
        %dma_start3A_492 = tpu.memref_slice %arg6[%and3A_489, %dma_start3A_490, %dma_start3A_491] : memref<4x128x64xf32, #tpu.memory_space<vmem>> -> memref<1x128x64xf32, #tpu.memory_space<vmem>>
        %dma_start3A_493 = tpu.memref_squeeze %dma_start3A_492 : memref<1x128x64xf32, #tpu.memory_space<vmem>> -> memref<128x64xf32, #tpu.memory_space<vmem>>
        %dma_start3A_494 = arith.constant 0 : i32
        %dma_start3A_495 = tpu.memref_slice %arg5[%add3A_485, %dma_start3A_494] : memref<200x128xi32, #tpu.memory_space<vmem>> -> memref<1x128xi32, #tpu.memory_space<vmem>>
        %dma_start3A_496 = tpu.memref_squeeze %dma_start3A_495 : memref<1x128xi32, #tpu.memory_space<vmem>> -> memref<128xi32, #tpu.memory_space<vmem>>
        %dma_start3A_497 = arith.constant 0 : i32
        %dma_start3A_498 = arith.constant 0 : i32
        %dma_start3A_499 = tpu.memref_slice %arg2[%dma_start3A_497, %dma_start3A_498] : memref<1000000x64xf32, #tpu.memory_space<hbm>> -> memref<1000000x64xf32, #tpu.memory_space<hbm>>
        tpu.enqueue_indirect_dma source(%dma_start3A_499 : memref<1000000x64xf32, #tpu.memory_space<hbm>>) target(%dma_start3A_493 : memref<128x64xf32, #tpu.memory_space<vmem>>) offsets(%dma_start3A_496 : memref<128xi32, #tpu.memory_space<vmem>>) semaphore(%arg8 : memref<!tpu.dma_semaphore, #tpu.memory_space<semaphore_mem>>)
      } else {
      }
      %ge3A = arith.constant 4 : i32
      %ge3A_148 = arith.cmpi sge, %scan3A_131, %ge3A : i32
      %convert_element_type3A_149 = arith.extui %ge3A_148 : i1 to i32
      %cond3A_150 = arith.constant 0 : i32
      %cond3A_151 = arith.cmpi ne, %convert_element_type3A_149, %cond3A_150 : i32
      scf.if %cond3A_151 {
        %dma_wait3A_484 = arith.constant 0 : i32
        %dma_wait3A_485 = arith.constant 0 : i32
        %dma_wait3A_486 = arith.constant 0 : i32
        %dma_wait3A_487 = arith.constant 0 : i32
        %dma_wait3A_488 = arith.constant 0 : i32
        %dma_wait3A_489 = tpu.memref_slice %arg7[%dma_wait3A_484, %dma_wait3A_486, %dma_wait3A_487, %dma_wait3A_488] : memref<4x8x8x129xf32, #tpu.memory_space<vmem>> -> memref<1x8x8x128xf32, #tpu.memory_space<vmem>>
        %dma_wait3A_490 = tpu.memref_squeeze %dma_wait3A_489 : memref<1x8x8x128xf32, #tpu.memory_space<vmem>> -> memref<8x8x128xf32, #tpu.memory_space<vmem>>
        %dma_wait3A_491 = arith.constant 0 : i32
        %dma_wait3A_492 = arith.constant 0 : i32
        %dma_wait3A_493 = arith.constant 0 : i32
        %dma_wait3A_494 = tpu.memref_slice %arg4[%dma_wait3A_485, %dma_wait3A_491, %add3A, %dma_wait3A_492, %dma_wait3A_493] : memref<200x8x32x8x128xf32, #tpu.memory_space<hbm>> -> memref<1x8x1x8x128xf32, #tpu.memory_space<hbm>>
        %dma_wait3A_495 = tpu.memref_squeeze %dma_wait3A_494 : memref<1x8x1x8x128xf32, #tpu.memory_space<hbm>> -> memref<8x8x128xf32, #tpu.memory_space<hbm>>
        %dma_wait3A_496 = arith.constant 0 : i32
        %dma_wait3A_497 = arith.constant 0 : i32
        %dma_wait3A_498 = arith.constant 0 : i32
        %dma_wait3A_499 = tpu.memref_slice %arg4[%dma_wait3A_485, %dma_wait3A_496, %add3A, %dma_wait3A_497, %dma_wait3A_498] : memref<200x8x32x8x128xf32, #tpu.memory_space<hbm>> -> memref<1x8x1x8x128xf32, #tpu.memory_space<hbm>>
        %dma_wait3A_500 = tpu.memref_squeeze %dma_wait3A_499 : memref<1x8x1x8x128xf32, #tpu.memory_space<hbm>> -> memref<8x8x128xf32, #tpu.memory_space<hbm>>
        %dma_wait3A_501 = arith.constant 0 : i32
        %dma_wait3A_502 = arith.constant 0 : i32
        %dma_wait3A_503 = arith.constant 0 : i32
        %dma_wait3A_504 = tpu.memref_slice %arg7[%dma_wait3A_484, %dma_wait3A_501, %dma_wait3A_502, %dma_wait3A_503] : memref<4x8x8x129xf32, #tpu.memory_space<vmem>> -> memref<1x8x8x128xf32, #tpu.memory_space<vmem>>
        %dma_wait3A_505 = tpu.memref_squeeze %dma_wait3A_504 : memref<1x8x8x128xf32, #tpu.memory_space<vmem>> -> memref<8x8x128xf32, #tpu.memory_space<vmem>>
        tpu.wait_dma2 semaphore(%arg9 : memref<!tpu.dma_semaphore, #tpu.memory_space<semaphore_mem>>) src(%dma_wait3A_505 : memref<8x8x128xf32, #tpu.memory_space<vmem>>) dst(%dma_wait3A_500 : memref<8x8x128xf32, #tpu.memory_space<hbm>>)
      } else {
      }
      %get3A = arith.constant 0 : i32
      %get3A_152 = arith.index_cast %and3A_133 : i32 to index
      %get3A_153 = arith.index_cast %get3A : i32 to index
      %get3A_154 = arith.constant 0 : index
      %get3A_155 = tpu.vector_load %arg6[%get3A_152, %get3A_153, %get3A_154] {strides = array<i32>} : memref<4x128x64xf32, #tpu.memory_space<vmem>>, vector<16xf32>,
      %get3A_156 = arith.constant 0 : i32
      %get3A_157 = arith.index_cast %and3A_133 : i32 to index
      %get3A_158 = arith.index_cast %get3A_156 : i32 to index
      %get3A_159 = arith.constant 16 : index
      %get3A_160 = tpu.vector_load %arg6[%get3A_157, %get3A_158, %get3A_159] {strides = array<i32>} : memref<4x128x64xf32, #tpu.memory_space<vmem>>, vector<16xf32>,
      %get3A_161 = arith.constant 0 : i32
      %get3A_162 = arith.index_cast %and3A_133 : i32 to index
      %get3A_163 = arith.index_cast %get3A_161 : i32 to index
      %get3A_164 = arith.constant 32 : index
      %get3A_165 = tpu.vector_load %arg6[%get3A_162, %get3A_163, %get3A_164] {strides = array<i32>} : memref<4x128x64xf32, #tpu.memory_space<vmem>>, vector<16xf32>,
      %get3A_166 = arith.constant 0 : i32
      %get3A_167 = arith.index_cast %and3A_133 : i32 to index
      %get3A_168 = arith.index_cast %get3A_166 : i32 to index
      %get3A_169 = arith.constant 48 : index
      %get3A_170 = tpu.vector_load %arg6[%get3A_167, %get3A_168, %get3A_169] {strides = array<i32>} : memref<4x128x64xf32, #tpu.memory_space<vmem>>, vector<16xf32>,
      %scan3A_171 = arith.constant 0 : i32
      %scan3A_172 = arith.constant 124 : i32
      %scan3A_173 = arith.addi %scan3A_171, %scan3A_172 : i32
      %scan3A_174 = arith.constant 4 : i32
      %scan3A_175:4 = scf.for %scan3A_484 = %scan3A_171 to %scan3A_173 step %scan3A_174 iter_args(%scan3A_485 = %get3A_155, %scan3A_486 = %get3A_160, %scan3A_487 = %get3A_165, %scan3A_488 = %get3A_170) -> (vector<16xf32>, vector<16xf32>, vector<16xf32>, vector<16xf32>)  : i32 {
        %add3A_489 = arith.constant 1 : i32
        %add3A_490 = arith.addi %scan3A_484, %add3A_489 : i32
        %get3A_491 = arith.index_cast %and3A_133 : i32 to index
        %get3A_492 = arith.index_cast %add3A_490 : i32 to index
        %get3A_493 = arith.constant 0 : index
        %get3A_494 = tpu.vector_load %arg6[%get3A_491, %get3A_492, %get3A_493] {strides = array<i32>} : memref<4x128x64xf32, #tpu.memory_space<vmem>>, vector<16xf32>,
        %get3A_495 = arith.index_cast %and3A_133 : i32 to index
        %get3A_496 = arith.index_cast %add3A_490 : i32 to index
        %get3A_497 = arith.constant 16 : index
        %get3A_498 = tpu.vector_load %arg6[%get3A_495, %get3A_496, %get3A_497] {strides = array<i32>} : memref<4x128x64xf32, #tpu.memory_space<vmem>>, vector<16xf32>,
        %get3A_499 = arith.index_cast %and3A_133 : i32 to index
        %get3A_500 = arith.index_cast %add3A_490 : i32 to index
        %get3A_501 = arith.constant 32 : index
        %get3A_502 = tpu.vector_load %arg6[%get3A_499, %get3A_500, %get3A_501] {strides = array<i32>} : memref<4x128x64xf32, #tpu.memory_space<vmem>>, vector<16xf32>,
        %get3A_503 = arith.index_cast %and3A_133 : i32 to index
        %get3A_504 = arith.index_cast %add3A_490 : i32 to index
        %get3A_505 = arith.constant 48 : index
        %get3A_506 = tpu.vector_load %arg6[%get3A_503, %get3A_504, %get3A_505] {strides = array<i32>} : memref<4x128x64xf32, #tpu.memory_space<vmem>>, vector<16xf32>,
        %broadcast_in_dim3A_507 = vector.broadcast %scan3A_484 : i32 to vector<16xi32>
        %add3A_508 = arith.constant 0 : i32
        %add3A_509 = vector.broadcast %add3A_508 : i32 to vector<16xi32>
        %add3A_510 = arith.addi %add3A_509, %iota3A : vector<16xi32>
        %shift_right_arithmetic3A_511 = arith.constant 3 : i32
        %shift_right_arithmetic3A_512 = vector.broadcast %shift_right_arithmetic3A_511 : i32 to vector<16xi32>
        %shift_right_arithmetic3A_513 = arith.shrsi %add3A_510, %shift_right_arithmetic3A_512 : vector<16xi32>
        %and3A_514 = arith.constant 7 : i32
        %and3A_515 = vector.broadcast %and3A_514 : i32 to vector<16xi32>
        %and3A_516 = arith.andi %add3A_510, %and3A_515 : vector<16xi32>
        %scatter3A_517 = arith.constant 0 : i32
        %scatter3A_518 = arith.constant 0 : i32
        %scatter3A_519 = arith.constant 0 : i32
        %scatter3A_520 = tpu.memref_slice %arg7[%and3A_133, %scatter3A_517, %scatter3A_518, %scatter3A_519] : memref<4x8x8x129xf32, #tpu.memory_space<vmem>> -> memref<1x8x8x129xf32, #tpu.memory_space<vmem>>
        %scatter3A_521 = tpu.memref_squeeze %scatter3A_520 : memref<1x8x8x129xf32, #tpu.memory_space<vmem>> -> memref<8x8x129xf32, #tpu.memory_space<vmem>>
        tpu.vector_store_idx %scatter3A_521[%shift_right_arithmetic3A_513, %and3A_516, %broadcast_in_dim3A_507], %scan3A_485 : memref<8x8x129xf32, #tpu.memory_space<vmem>>[vector<16xi32>, vector<16xi32>, vector<16xi32>], vector<16xf32>,
        %add3A_522 = arith.constant 16 : i32
        %add3A_523 = vector.broadcast %add3A_522 : i32 to vector<16xi32>
        %add3A_524 = arith.addi %add3A_523, %iota3A : vector<16xi32>
        %shift_right_arithmetic3A_525 = arith.constant 3 : i32
        %shift_right_arithmetic3A_526 = vector.broadcast %shift_right_arithmetic3A_525 : i32 to vector<16xi32>
        %shift_right_arithmetic3A_527 = arith.shrsi %add3A_524, %shift_right_arithmetic3A_526 : vector<16xi32>
        %and3A_528 = arith.constant 7 : i32
        %and3A_529 = vector.broadcast %and3A_528 : i32 to vector<16xi32>
        %and3A_530 = arith.andi %add3A_524, %and3A_529 : vector<16xi32>
        %scatter3A_531 = arith.constant 0 : i32
        %scatter3A_532 = arith.constant 0 : i32
        %scatter3A_533 = arith.constant 0 : i32
        %scatter3A_534 = tpu.memref_slice %arg7[%and3A_133, %scatter3A_531, %scatter3A_532, %scatter3A_533] : memref<4x8x8x129xf32, #tpu.memory_space<vmem>> -> memref<1x8x8x129xf32, #tpu.memory_space<vmem>>
        %scatter3A_535 = tpu.memref_squeeze %scatter3A_534 : memref<1x8x8x129xf32, #tpu.memory_space<vmem>> -> memref<8x8x129xf32, #tpu.memory_space<vmem>>
        tpu.vector_store_idx %scatter3A_535[%shift_right_arithmetic3A_527, %and3A_530, %broadcast_in_dim3A_507], %scan3A_486 : memref<8x8x129xf32, #tpu.memory_space<vmem>>[vector<16xi32>, vector<16xi32>, vector<16xi32>], vector<16xf32>,
        %add3A_536 = arith.constant 32 : i32
        %add3A_537 = vector.broadcast %add3A_536 : i32 to vector<16xi32>
        %add3A_538 = arith.addi %add3A_537, %iota3A : vector<16xi32>
        %shift_right_arithmetic3A_539 = arith.constant 3 : i32
        %shift_right_arithmetic3A_540 = vector.broadcast %shift_right_arithmetic3A_539 : i32 to vector<16xi32>
        %shift_right_arithmetic3A_541 = arith.shrsi %add3A_538, %shift_right_arithmetic3A_540 : vector<16xi32>
        %and3A_542 = arith.constant 7 : i32
        %and3A_543 = vector.broadcast %and3A_542 : i32 to vector<16xi32>
        %and3A_544 = arith.andi %add3A_538, %and3A_543 : vector<16xi32>
        %scatter3A_545 = arith.constant 0 : i32
        %scatter3A_546 = arith.constant 0 : i32
        %scatter3A_547 = arith.constant 0 : i32
        %scatter3A_548 = tpu.memref_slice %arg7[%and3A_133, %scatter3A_545, %scatter3A_546, %scatter3A_547] : memref<4x8x8x129xf32, #tpu.memory_space<vmem>> -> memref<1x8x8x129xf32, #tpu.memory_space<vmem>>
        %scatter3A_549 = tpu.memref_squeeze %scatter3A_548 : memref<1x8x8x129xf32, #tpu.memory_space<vmem>> -> memref<8x8x129xf32, #tpu.memory_space<vmem>>
        tpu.vector_store_idx %scatter3A_549[%shift_right_arithmetic3A_541, %and3A_544, %broadcast_in_dim3A_507], %scan3A_487 : memref<8x8x129xf32, #tpu.memory_space<vmem>>[vector<16xi32>, vector<16xi32>, vector<16xi32>], vector<16xf32>,
        %add3A_550 = arith.constant 48 : i32
        %add3A_551 = vector.broadcast %add3A_550 : i32 to vector<16xi32>
        %add3A_552 = arith.addi %add3A_551, %iota3A : vector<16xi32>
        %shift_right_arithmetic3A_553 = arith.constant 3 : i32
        %shift_right_arithmetic3A_554 = vector.broadcast %shift_right_arithmetic3A_553 : i32 to vector<16xi32>
        %shift_right_arithmetic3A_555 = arith.shrsi %add3A_552, %shift_right_arithmetic3A_554 : vector<16xi32>
        %and3A_556 = arith.constant 7 : i32
        %and3A_557 = vector.broadcast %and3A_556 : i32 to vector<16xi32>
        %and3A_558 = arith.andi %add3A_552, %and3A_557 : vector<16xi32>
        %scatter3A_559 = arith.constant 0 : i32
        %scatter3A_560 = arith.constant 0 : i32
        %scatter3A_561 = arith.constant 0 : i32
        %scatter3A_562 = tpu.memref_slice %arg7[%and3A_133, %scatter3A_559, %scatter3A_560, %scatter3A_561] : memref<4x8x8x129xf32, #tpu.memory_space<vmem>> -> memref<1x8x8x129xf32, #tpu.memory_space<vmem>>
        %scatter3A_563 = tpu.memref_squeeze %scatter3A_562 : memref<1x8x8x129xf32, #tpu.memory_space<vmem>> -> memref<8x8x129xf32, #tpu.memory_space<vmem>>
        tpu.vector_store_idx %scatter3A_563[%shift_right_arithmetic3A_555, %and3A_558, %broadcast_in_dim3A_507], %scan3A_488 : memref<8x8x129xf32, #tpu.memory_space<vmem>>[vector<16xi32>, vector<16xi32>, vector<16xi32>], vector<16xf32>,
        %scan3A_564 = arith.constant 1 : i32
        %scan3A_565 = arith.addi %scan3A_484, %scan3A_564 : i32
        %add3A_566 = arith.constant 1 : i32
        %add3A_567 = arith.addi %scan3A_565, %add3A_566 : i32
        %get3A_568 = arith.index_cast %and3A_133 : i32 to index
        %get3A_569 = arith.index_cast %add3A_567 : i32 to index
        %get3A_570 = arith.constant 0 : index
        %get3A_571 = tpu.vector_load %arg6[%get3A_568, %get3A_569, %get3A_570] {strides = array<i32>} : memref<4x128x64xf32, #tpu.memory_space<vmem>>, vector<16xf32>,
        %get3A_572 = arith.index_cast %and3A_133 : i32 to index
        %get3A_573 = arith.index_cast %add3A_567 : i32 to index
        %get3A_574 = arith.constant 16 : index
        %get3A_575 = tpu.vector_load %arg6[%get3A_572, %get3A_573, %get3A_574] {strides = array<i32>} : memref<4x128x64xf32, #tpu.memory_space<vmem>>, vector<16xf32>,
        %get3A_576 = arith.index_cast %and3A_133 : i32 to index
        %get3A_577 = arith.index_cast %add3A_567 : i32 to index
        %get3A_578 = arith.constant 32 : index
        %get3A_579 = tpu.vector_load %arg6[%get3A_576, %get3A_577, %get3A_578] {strides = array<i32>} : memref<4x128x64xf32, #tpu.memory_space<vmem>>, vector<16xf32>,
        %get3A_580 = arith.index_cast %and3A_133 : i32 to index
        %get3A_581 = arith.index_cast %add3A_567 : i32 to index
        %get3A_582 = arith.constant 48 : index
        %get3A_583 = tpu.vector_load %arg6[%get3A_580, %get3A_581, %get3A_582] {strides = array<i32>} : memref<4x128x64xf32, #tpu.memory_space<vmem>>, vector<16xf32>,
        %broadcast_in_dim3A_584 = vector.broadcast %scan3A_565 : i32 to vector<16xi32>
        %add3A_585 = arith.constant 0 : i32
        %add3A_586 = vector.broadcast %add3A_585 : i32 to vector<16xi32>
        %add3A_587 = arith.addi %add3A_586, %iota3A : vector<16xi32>
        %shift_right_arithmetic3A_588 = arith.constant 3 : i32
        %shift_right_arithmetic3A_589 = vector.broadcast %shift_right_arithmetic3A_588 : i32 to vector<16xi32>
        %shift_right_arithmetic3A_590 = arith.shrsi %add3A_587, %shift_right_arithmetic3A_589 : vector<16xi32>
        %and3A_591 = arith.constant 7 : i32
        %and3A_592 = vector.broadcast %and3A_591 : i32 to vector<16xi32>
        %and3A_593 = arith.andi %add3A_587, %and3A_592 : vector<16xi32>
        %scatter3A_594 = arith.constant 0 : i32
        %scatter3A_595 = arith.constant 0 : i32
        %scatter3A_596 = arith.constant 0 : i32
        %scatter3A_597 = tpu.memref_slice %arg7[%and3A_133, %scatter3A_594, %scatter3A_595, %scatter3A_596] : memref<4x8x8x129xf32, #tpu.memory_space<vmem>> -> memref<1x8x8x129xf32, #tpu.memory_space<vmem>>
        %scatter3A_598 = tpu.memref_squeeze %scatter3A_597 : memref<1x8x8x129xf32, #tpu.memory_space<vmem>> -> memref<8x8x129xf32, #tpu.memory_space<vmem>>
        tpu.vector_store_idx %scatter3A_598[%shift_right_arithmetic3A_590, %and3A_593, %broadcast_in_dim3A_584], %get3A_494 : memref<8x8x129xf32, #tpu.memory_space<vmem>>[vector<16xi32>, vector<16xi32>, vector<16xi32>], vector<16xf32>,
        %add3A_599 = arith.constant 16 : i32
        %add3A_600 = vector.broadcast %add3A_599 : i32 to vector<16xi32>
        %add3A_601 = arith.addi %add3A_600, %iota3A : vector<16xi32>
        %shift_right_arithmetic3A_602 = arith.constant 3 : i32
        %shift_right_arithmetic3A_603 = vector.broadcast %shift_right_arithmetic3A_602 : i32 to vector<16xi32>
        %shift_right_arithmetic3A_604 = arith.shrsi %add3A_601, %shift_right_arithmetic3A_603 : vector<16xi32>
        %and3A_605 = arith.constant 7 : i32
        %and3A_606 = vector.broadcast %and3A_605 : i32 to vector<16xi32>
        %and3A_607 = arith.andi %add3A_601, %and3A_606 : vector<16xi32>
        %scatter3A_608 = arith.constant 0 : i32
        %scatter3A_609 = arith.constant 0 : i32
        %scatter3A_610 = arith.constant 0 : i32
        %scatter3A_611 = tpu.memref_slice %arg7[%and3A_133, %scatter3A_608, %scatter3A_609, %scatter3A_610] : memref<4x8x8x129xf32, #tpu.memory_space<vmem>> -> memref<1x8x8x129xf32, #tpu.memory_space<vmem>>
        %scatter3A_612 = tpu.memref_squeeze %scatter3A_611 : memref<1x8x8x129xf32, #tpu.memory_space<vmem>> -> memref<8x8x129xf32, #tpu.memory_space<vmem>>
        tpu.vector_store_idx %scatter3A_612[%shift_right_arithmetic3A_604, %and3A_607, %broadcast_in_dim3A_584], %get3A_498 : memref<8x8x129xf32, #tpu.memory_space<vmem>>[vector<16xi32>, vector<16xi32>, vector<16xi32>], vector<16xf32>,
        %add3A_613 = arith.constant 32 : i32
        %add3A_614 = vector.broadcast %add3A_613 : i32 to vector<16xi32>
        %add3A_615 = arith.addi %add3A_614, %iota3A : vector<16xi32>
        %shift_right_arithmetic3A_616 = arith.constant 3 : i32
        %shift_right_arithmetic3A_617 = vector.broadcast %shift_right_arithmetic3A_616 : i32 to vector<16xi32>
        %shift_right_arithmetic3A_618 = arith.shrsi %add3A_615, %shift_right_arithmetic3A_617 : vector<16xi32>
        %and3A_619 = arith.constant 7 : i32
        %and3A_620 = vector.broadcast %and3A_619 : i32 to vector<16xi32>
        %and3A_621 = arith.andi %add3A_615, %and3A_620 : vector<16xi32>
        %scatter3A_622 = arith.constant 0 : i32
        %scatter3A_623 = arith.constant 0 : i32
        %scatter3A_624 = arith.constant 0 : i32
        %scatter3A_625 = tpu.memref_slice %arg7[%and3A_133, %scatter3A_622, %scatter3A_623, %scatter3A_624] : memref<4x8x8x129xf32, #tpu.memory_space<vmem>> -> memref<1x8x8x129xf32, #tpu.memory_space<vmem>>
        %scatter3A_626 = tpu.memref_squeeze %scatter3A_625 : memref<1x8x8x129xf32, #tpu.memory_space<vmem>> -> memref<8x8x129xf32, #tpu.memory_space<vmem>>
        tpu.vector_store_idx %scatter3A_626[%shift_right_arithmetic3A_618, %and3A_621, %broadcast_in_dim3A_584], %get3A_502 : memref<8x8x129xf32, #tpu.memory_space<vmem>>[vector<16xi32>, vector<16xi32>, vector<16xi32>], vector<16xf32>,
        %add3A_627 = arith.constant 48 : i32
        %add3A_628 = vector.broadcast %add3A_627 : i32 to vector<16xi32>
        %add3A_629 = arith.addi %add3A_628, %iota3A : vector<16xi32>
        %shift_right_arithmetic3A_630 = arith.constant 3 : i32
        %shift_right_arithmetic3A_631 = vector.broadcast %shift_right_arithmetic3A_630 : i32 to vector<16xi32>
        %shift_right_arithmetic3A_632 = arith.shrsi %add3A_629, %shift_right_arithmetic3A_631 : vector<16xi32>
        %and3A_633 = arith.constant 7 : i32
        %and3A_634 = vector.broadcast %and3A_633 : i32 to vector<16xi32>
        %and3A_635 = arith.andi %add3A_629, %and3A_634 : vector<16xi32>
        %scatter3A_636 = arith.constant 0 : i32
        %scatter3A_637 = arith.constant 0 : i32
        %scatter3A_638 = arith.constant 0 : i32
        %scatter3A_639 = tpu.memref_slice %arg7[%and3A_133, %scatter3A_636, %scatter3A_637, %scatter3A_638] : memref<4x8x8x129xf32, #tpu.memory_space<vmem>> -> memref<1x8x8x129xf32, #tpu.memory_space<vmem>>
        %scatter3A_640 = tpu.memref_squeeze %scatter3A_639 : memref<1x8x8x129xf32, #tpu.memory_space<vmem>> -> memref<8x8x129xf32, #tpu.memory_space<vmem>>
        tpu.vector_store_idx %scatter3A_640[%shift_right_arithmetic3A_632, %and3A_635, %broadcast_in_dim3A_584], %get3A_506 : memref<8x8x129xf32, #tpu.memory_space<vmem>>[vector<16xi32>, vector<16xi32>, vector<16xi32>], vector<16xf32>,
        %scan3A_641 = arith.constant 2 : i32
        %scan3A_642 = arith.addi %scan3A_484, %scan3A_641 : i32
        %add3A_643 = arith.constant 1 : i32
        %add3A_644 = arith.addi %scan3A_642, %add3A_643 : i32
        %get3A_645 = arith.index_cast %and3A_133 : i32 to index
        %get3A_646 = arith.index_cast %add3A_644 : i32 to index
        %get3A_647 = arith.constant 0 : index
        %get3A_648 = tpu.vector_load %arg6[%get3A_645, %get3A_646, %get3A_647] {strides = array<i32>} : memref<4x128x64xf32, #tpu.memory_space<vmem>>, vector<16xf32>,
        %get3A_649 = arith.index_cast %and3A_133 : i32 to index
        %get3A_650 = arith.index_cast %add3A_644 : i32 to index
        %get3A_651 = arith.constant 16 : index
        %get3A_652 = tpu.vector_load %arg6[%get3A_649, %get3A_650, %get3A_651] {strides = array<i32>} : memref<4x128x64xf32, #tpu.memory_space<vmem>>, vector<16xf32>,
        %get3A_653 = arith.index_cast %and3A_133 : i32 to index
        %get3A_654 = arith.index_cast %add3A_644 : i32 to index
        %get3A_655 = arith.constant 32 : index
        %get3A_656 = tpu.vector_load %arg6[%get3A_653, %get3A_654, %get3A_655] {strides = array<i32>} : memref<4x128x64xf32, #tpu.memory_space<vmem>>, vector<16xf32>,
        %get3A_657 = arith.index_cast %and3A_133 : i32 to index
        %get3A_658 = arith.index_cast %add3A_644 : i32 to index
        %get3A_659 = arith.constant 48 : index
        %get3A_660 = tpu.vector_load %arg6[%get3A_657, %get3A_658, %get3A_659] {strides = array<i32>} : memref<4x128x64xf32, #tpu.memory_space<vmem>>, vector<16xf32>,
        %broadcast_in_dim3A_661 = vector.broadcast %scan3A_642 : i32 to vector<16xi32>
        %add3A_662 = arith.constant 0 : i32
        %add3A_663 = vector.broadcast %add3A_662 : i32 to vector<16xi32>
        %add3A_664 = arith.addi %add3A_663, %iota3A : vector<16xi32>
        %shift_right_arithmetic3A_665 = arith.constant 3 : i32
        %shift_right_arithmetic3A_666 = vector.broadcast %shift_right_arithmetic3A_665 : i32 to vector<16xi32>
        %shift_right_arithmetic3A_667 = arith.shrsi %add3A_664, %shift_right_arithmetic3A_666 : vector<16xi32>
        %and3A_668 = arith.constant 7 : i32
        %and3A_669 = vector.broadcast %and3A_668 : i32 to vector<16xi32>
        %and3A_670 = arith.andi %add3A_664, %and3A_669 : vector<16xi32>
        %scatter3A_671 = arith.constant 0 : i32
        %scatter3A_672 = arith.constant 0 : i32
        %scatter3A_673 = arith.constant 0 : i32
        %scatter3A_674 = tpu.memref_slice %arg7[%and3A_133, %scatter3A_671, %scatter3A_672, %scatter3A_673] : memref<4x8x8x129xf32, #tpu.memory_space<vmem>> -> memref<1x8x8x129xf32, #tpu.memory_space<vmem>>
        %scatter3A_675 = tpu.memref_squeeze %scatter3A_674 : memref<1x8x8x129xf32, #tpu.memory_space<vmem>> -> memref<8x8x129xf32, #tpu.memory_space<vmem>>
        tpu.vector_store_idx %scatter3A_675[%shift_right_arithmetic3A_667, %and3A_670, %broadcast_in_dim3A_661], %get3A_571 : memref<8x8x129xf32, #tpu.memory_space<vmem>>[vector<16xi32>, vector<16xi32>, vector<16xi32>], vector<16xf32>,
        %add3A_676 = arith.constant 16 : i32
        %add3A_677 = vector.broadcast %add3A_676 : i32 to vector<16xi32>
        %add3A_678 = arith.addi %add3A_677, %iota3A : vector<16xi32>
        %shift_right_arithmetic3A_679 = arith.constant 3 : i32
        %shift_right_arithmetic3A_680 = vector.broadcast %shift_right_arithmetic3A_679 : i32 to vector<16xi32>
        %shift_right_arithmetic3A_681 = arith.shrsi %add3A_678, %shift_right_arithmetic3A_680 : vector<16xi32>
        %and3A_682 = arith.constant 7 : i32
        %and3A_683 = vector.broadcast %and3A_682 : i32 to vector<16xi32>
        %and3A_684 = arith.andi %add3A_678, %and3A_683 : vector<16xi32>
        %scatter3A_685 = arith.constant 0 : i32
        %scatter3A_686 = arith.constant 0 : i32
        %scatter3A_687 = arith.constant 0 : i32
        %scatter3A_688 = tpu.memref_slice %arg7[%and3A_133, %scatter3A_685, %scatter3A_686, %scatter3A_687] : memref<4x8x8x129xf32, #tpu.memory_space<vmem>> -> memref<1x8x8x129xf32, #tpu.memory_space<vmem>>
        %scatter3A_689 = tpu.memref_squeeze %scatter3A_688 : memref<1x8x8x129xf32, #tpu.memory_space<vmem>> -> memref<8x8x129xf32, #tpu.memory_space<vmem>>
        tpu.vector_store_idx %scatter3A_689[%shift_right_arithmetic3A_681, %and3A_684, %broadcast_in_dim3A_661], %get3A_575 : memref<8x8x129xf32, #tpu.memory_space<vmem>>[vector<16xi32>, vector<16xi32>, vector<16xi32>], vector<16xf32>,
        %add3A_690 = arith.constant 32 : i32
        %add3A_691 = vector.broadcast %add3A_690 : i32 to vector<16xi32>
        %add3A_692 = arith.addi %add3A_691, %iota3A : vector<16xi32>
        %shift_right_arithmetic3A_693 = arith.constant 3 : i32
        %shift_right_arithmetic3A_694 = vector.broadcast %shift_right_arithmetic3A_693 : i32 to vector<16xi32>
        %shift_right_arithmetic3A_695 = arith.shrsi %add3A_692, %shift_right_arithmetic3A_694 : vector<16xi32>
        %and3A_696 = arith.constant 7 : i32
        %and3A_697 = vector.broadcast %and3A_696 : i32 to vector<16xi32>
        %and3A_698 = arith.andi %add3A_692, %and3A_697 : vector<16xi32>
        %scatter3A_699 = arith.constant 0 : i32
        %scatter3A_700 = arith.constant 0 : i32
        %scatter3A_701 = arith.constant 0 : i32
        %scatter3A_702 = tpu.memref_slice %arg7[%and3A_133, %scatter3A_699, %scatter3A_700, %scatter3A_701] : memref<4x8x8x129xf32, #tpu.memory_space<vmem>> -> memref<1x8x8x129xf32, #tpu.memory_space<vmem>>
        %scatter3A_703 = tpu.memref_squeeze %scatter3A_702 : memref<1x8x8x129xf32, #tpu.memory_space<vmem>> -> memref<8x8x129xf32, #tpu.memory_space<vmem>>
        tpu.vector_store_idx %scatter3A_703[%shift_right_arithmetic3A_695, %and3A_698, %broadcast_in_dim3A_661], %get3A_579 : memref<8x8x129xf32, #tpu.memory_space<vmem>>[vector<16xi32>, vector<16xi32>, vector<16xi32>], vector<16xf32>,
        %add3A_704 = arith.constant 48 : i32
        %add3A_705 = vector.broadcast %add3A_704 : i32 to vector<16xi32>
        %add3A_706 = arith.addi %add3A_705, %iota3A : vector<16xi32>
        %shift_right_arithmetic3A_707 = arith.constant 3 : i32
        %shift_right_arithmetic3A_708 = vector.broadcast %shift_right_arithmetic3A_707 : i32 to vector<16xi32>
        %shift_right_arithmetic3A_709 = arith.shrsi %add3A_706, %shift_right_arithmetic3A_708 : vector<16xi32>
        %and3A_710 = arith.constant 7 : i32
        %and3A_711 = vector.broadcast %and3A_710 : i32 to vector<16xi32>
        %and3A_712 = arith.andi %add3A_706, %and3A_711 : vector<16xi32>
        %scatter3A_713 = arith.constant 0 : i32
        %scatter3A_714 = arith.constant 0 : i32
        %scatter3A_715 = arith.constant 0 : i32
        %scatter3A_716 = tpu.memref_slice %arg7[%and3A_133, %scatter3A_713, %scatter3A_714, %scatter3A_715] : memref<4x8x8x129xf32, #tpu.memory_space<vmem>> -> memref<1x8x8x129xf32, #tpu.memory_space<vmem>>
        %scatter3A_717 = tpu.memref_squeeze %scatter3A_716 : memref<1x8x8x129xf32, #tpu.memory_space<vmem>> -> memref<8x8x129xf32, #tpu.memory_space<vmem>>
        tpu.vector_store_idx %scatter3A_717[%shift_right_arithmetic3A_709, %and3A_712, %broadcast_in_dim3A_661], %get3A_583 : memref<8x8x129xf32, #tpu.memory_space<vmem>>[vector<16xi32>, vector<16xi32>, vector<16xi32>], vector<16xf32>,
        %scan3A_718 = arith.constant 3 : i32
        %scan3A_719 = arith.addi %scan3A_484, %scan3A_718 : i32
        %add3A_720 = arith.constant 1 : i32
        %add3A_721 = arith.addi %scan3A_719, %add3A_720 : i32
        %get3A_722 = arith.index_cast %and3A_133 : i32 to index
        %get3A_723 = arith.index_cast %add3A_721 : i32 to index
        %get3A_724 = arith.constant 0 : index
        %get3A_725 = tpu.vector_load %arg6[%get3A_722, %get3A_723, %get3A_724] {strides = array<i32>} : memref<4x128x64xf32, #tpu.memory_space<vmem>>, vector<16xf32>,
        %get3A_726 = arith.index_cast %and3A_133 : i32 to index
        %get3A_727 = arith.index_cast %add3A_721 : i32 to index
        %get3A_728 = arith.constant 16 : index
        %get3A_729 = tpu.vector_load %arg6[%get3A_726, %get3A_727, %get3A_728] {strides = array<i32>} : memref<4x128x64xf32, #tpu.memory_space<vmem>>, vector<16xf32>,
        %get3A_730 = arith.index_cast %and3A_133 : i32 to index
        %get3A_731 = arith.index_cast %add3A_721 : i32 to index
        %get3A_732 = arith.constant 32 : index
        %get3A_733 = tpu.vector_load %arg6[%get3A_730, %get3A_731, %get3A_732] {strides = array<i32>} : memref<4x128x64xf32, #tpu.memory_space<vmem>>, vector<16xf32>,
        %get3A_734 = arith.index_cast %and3A_133 : i32 to index
        %get3A_735 = arith.index_cast %add3A_721 : i32 to index
        %get3A_736 = arith.constant 48 : index
        %get3A_737 = tpu.vector_load %arg6[%get3A_734, %get3A_735, %get3A_736] {strides = array<i32>} : memref<4x128x64xf32, #tpu.memory_space<vmem>>, vector<16xf32>,
        %broadcast_in_dim3A_738 = vector.broadcast %scan3A_719 : i32 to vector<16xi32>
        %add3A_739 = arith.constant 0 : i32
        %add3A_740 = vector.broadcast %add3A_739 : i32 to vector<16xi32>
        %add3A_741 = arith.addi %add3A_740, %iota3A : vector<16xi32>
        %shift_right_arithmetic3A_742 = arith.constant 3 : i32
        %shift_right_arithmetic3A_743 = vector.broadcast %shift_right_arithmetic3A_742 : i32 to vector<16xi32>
        %shift_right_arithmetic3A_744 = arith.shrsi %add3A_741, %shift_right_arithmetic3A_743 : vector<16xi32>
        %and3A_745 = arith.constant 7 : i32
        %and3A_746 = vector.broadcast %and3A_745 : i32 to vector<16xi32>
        %and3A_747 = arith.andi %add3A_741, %and3A_746 : vector<16xi32>
        %scatter3A_748 = arith.constant 0 : i32
        %scatter3A_749 = arith.constant 0 : i32
        %scatter3A_750 = arith.constant 0 : i32
        %scatter3A_751 = tpu.memref_slice %arg7[%and3A_133, %scatter3A_748, %scatter3A_749, %scatter3A_750] : memref<4x8x8x129xf32, #tpu.memory_space<vmem>> -> memref<1x8x8x129xf32, #tpu.memory_space<vmem>>
        %scatter3A_752 = tpu.memref_squeeze %scatter3A_751 : memref<1x8x8x129xf32, #tpu.memory_space<vmem>> -> memref<8x8x129xf32, #tpu.memory_space<vmem>>
        tpu.vector_store_idx %scatter3A_752[%shift_right_arithmetic3A_744, %and3A_747, %broadcast_in_dim3A_738], %get3A_648 : memref<8x8x129xf32, #tpu.memory_space<vmem>>[vector<16xi32>, vector<16xi32>, vector<16xi32>], vector<16xf32>,
        %add3A_753 = arith.constant 16 : i32
        %add3A_754 = vector.broadcast %add3A_753 : i32 to vector<16xi32>
        %add3A_755 = arith.addi %add3A_754, %iota3A : vector<16xi32>
        %shift_right_arithmetic3A_756 = arith.constant 3 : i32
        %shift_right_arithmetic3A_757 = vector.broadcast %shift_right_arithmetic3A_756 : i32 to vector<16xi32>
        %shift_right_arithmetic3A_758 = arith.shrsi %add3A_755, %shift_right_arithmetic3A_757 : vector<16xi32>
        %and3A_759 = arith.constant 7 : i32
        %and3A_760 = vector.broadcast %and3A_759 : i32 to vector<16xi32>
        %and3A_761 = arith.andi %add3A_755, %and3A_760 : vector<16xi32>
        %scatter3A_762 = arith.constant 0 : i32
        %scatter3A_763 = arith.constant 0 : i32
        %scatter3A_764 = arith.constant 0 : i32
        %scatter3A_765 = tpu.memref_slice %arg7[%and3A_133, %scatter3A_762, %scatter3A_763, %scatter3A_764] : memref<4x8x8x129xf32, #tpu.memory_space<vmem>> -> memref<1x8x8x129xf32, #tpu.memory_space<vmem>>
        %scatter3A_766 = tpu.memref_squeeze %scatter3A_765 : memref<1x8x8x129xf32, #tpu.memory_space<vmem>> -> memref<8x8x129xf32, #tpu.memory_space<vmem>>
        tpu.vector_store_idx %scatter3A_766[%shift_right_arithmetic3A_758, %and3A_761, %broadcast_in_dim3A_738], %get3A_652 : memref<8x8x129xf32, #tpu.memory_space<vmem>>[vector<16xi32>, vector<16xi32>, vector<16xi32>], vector<16xf32>,
        %add3A_767 = arith.constant 32 : i32
        %add3A_768 = vector.broadcast %add3A_767 : i32 to vector<16xi32>
        %add3A_769 = arith.addi %add3A_768, %iota3A : vector<16xi32>
        %shift_right_arithmetic3A_770 = arith.constant 3 : i32
        %shift_right_arithmetic3A_771 = vector.broadcast %shift_right_arithmetic3A_770 : i32 to vector<16xi32>
        %shift_right_arithmetic3A_772 = arith.shrsi %add3A_769, %shift_right_arithmetic3A_771 : vector<16xi32>
        %and3A_773 = arith.constant 7 : i32
        %and3A_774 = vector.broadcast %and3A_773 : i32 to vector<16xi32>
        %and3A_775 = arith.andi %add3A_769, %and3A_774 : vector<16xi32>
        %scatter3A_776 = arith.constant 0 : i32
        %scatter3A_777 = arith.constant 0 : i32
        %scatter3A_778 = arith.constant 0 : i32
        %scatter3A_779 = tpu.memref_slice %arg7[%and3A_133, %scatter3A_776, %scatter3A_777, %scatter3A_778] : memref<4x8x8x129xf32, #tpu.memory_space<vmem>> -> memref<1x8x8x129xf32, #tpu.memory_space<vmem>>
        %scatter3A_780 = tpu.memref_squeeze %scatter3A_779 : memref<1x8x8x129xf32, #tpu.memory_space<vmem>> -> memref<8x8x129xf32, #tpu.memory_space<vmem>>
        tpu.vector_store_idx %scatter3A_780[%shift_right_arithmetic3A_772, %and3A_775, %broadcast_in_dim3A_738], %get3A_656 : memref<8x8x129xf32, #tpu.memory_space<vmem>>[vector<16xi32>, vector<16xi32>, vector<16xi32>], vector<16xf32>,
        %add3A_781 = arith.constant 48 : i32
        %add3A_782 = vector.broadcast %add3A_781 : i32 to vector<16xi32>
        %add3A_783 = arith.addi %add3A_782, %iota3A : vector<16xi32>
        %shift_right_arithmetic3A_784 = arith.constant 3 : i32
        %shift_right_arithmetic3A_785 = vector.broadcast %shift_right_arithmetic3A_784 : i32 to vector<16xi32>
        %shift_right_arithmetic3A_786 = arith.shrsi %add3A_783, %shift_right_arithmetic3A_785 : vector<16xi32>
        %and3A_787 = arith.constant 7 : i32
        %and3A_788 = vector.broadcast %and3A_787 : i32 to vector<16xi32>
        %and3A_789 = arith.andi %add3A_783, %and3A_788 : vector<16xi32>
        %scatter3A_790 = arith.constant 0 : i32
        %scatter3A_791 = arith.constant 0 : i32
        %scatter3A_792 = arith.constant 0 : i32
        %scatter3A_793 = tpu.memref_slice %arg7[%and3A_133, %scatter3A_790, %scatter3A_791, %scatter3A_792] : memref<4x8x8x129xf32, #tpu.memory_space<vmem>> -> memref<1x8x8x129xf32, #tpu.memory_space<vmem>>
        %scatter3A_794 = tpu.memref_squeeze %scatter3A_793 : memref<1x8x8x129xf32, #tpu.memory_space<vmem>> -> memref<8x8x129xf32, #tpu.memory_space<vmem>>
        tpu.vector_store_idx %scatter3A_794[%shift_right_arithmetic3A_786, %and3A_789, %broadcast_in_dim3A_738], %get3A_660 : memref<8x8x129xf32, #tpu.memory_space<vmem>>[vector<16xi32>, vector<16xi32>, vector<16xi32>], vector<16xf32>,
        scf.yield %get3A_725, %get3A_729, %get3A_733, %get3A_737 : vector<16xf32>, vector<16xf32>, vector<16xf32>, vector<16xf32>
      }
      %scan3A_176 = arith.constant 124 : i32
      %scan3A_177 = arith.addi %scan3A_171, %scan3A_176 : i32
      %add3A_178 = arith.constant 1 : i32
      %add3A_179 = arith.addi %scan3A_177, %add3A_178 : i32
      %get3A_180 = arith.index_cast %and3A_133 : i32 to index
      %get3A_181 = arith.index_cast %add3A_179 : i32 to index
      %get3A_182 = arith.constant 0 : index
      %get3A_183 = tpu.vector_load %arg6[%get3A_180, %get3A_181, %get3A_182] {strides = array<i32>} : memref<4x128x64xf32, #tpu.memory_space<vmem>>, vector<16xf32>,
      %get3A_184 = arith.index_cast %and3A_133 : i32 to index
      %get3A_185 = arith.index_cast %add3A_179 : i32 to index
      %get3A_186 = arith.constant 16 : index
      %get3A_187 = tpu.vector_load %arg6[%get3A_184, %get3A_185, %get3A_186] {strides = array<i32>} : memref<4x128x64xf32, #tpu.memory_space<vmem>>, vector<16xf32>,
      %get3A_188 = arith.index_cast %and3A_133 : i32 to index
      %get3A_189 = arith.index_cast %add3A_179 : i32 to index
      %get3A_190 = arith.constant 32 : index
      %get3A_191 = tpu.vector_load %arg6[%get3A_188, %get3A_189, %get3A_190] {strides = array<i32>} : memref<4x128x64xf32, #tpu.memory_space<vmem>>, vector<16xf32>,
      %get3A_192 = arith.index_cast %and3A_133 : i32 to index
      %get3A_193 = arith.index_cast %add3A_179 : i32 to index
      %get3A_194 = arith.constant 48 : index
      %get3A_195 = tpu.vector_load %arg6[%get3A_192, %get3A_193, %get3A_194] {strides = array<i32>} : memref<4x128x64xf32, #tpu.memory_space<vmem>>, vector<16xf32>,
      %broadcast_in_dim3A = vector.broadcast %scan3A_177 : i32 to vector<16xi32>
      %add3A_196 = arith.constant 0 : i32
      %add3A_197 = vector.broadcast %add3A_196 : i32 to vector<16xi32>
      %add3A_198 = arith.addi %add3A_197, %iota3A : vector<16xi32>
      %shift_right_arithmetic3A = arith.constant 3 : i32
      %shift_right_arithmetic3A_199 = vector.broadcast %shift_right_arithmetic3A : i32 to vector<16xi32>
      %shift_right_arithmetic3A_200 = arith.shrsi %add3A_198, %shift_right_arithmetic3A_199 : vector<16xi32>
      %and3A_201 = arith.constant 7 : i32
      %and3A_202 = vector.broadcast %and3A_201 : i32 to vector<16xi32>
      %and3A_203 = arith.andi %add3A_198, %and3A_202 : vector<16xi32>
      %scatter3A = arith.constant 0 : i32
      %scatter3A_204 = arith.constant 0 : i32
      %scatter3A_205 = arith.constant 0 : i32
      %scatter3A_206 = tpu.memref_slice %arg7[%and3A_133, %scatter3A, %scatter3A_204, %scatter3A_205] : memref<4x8x8x129xf32, #tpu.memory_space<vmem>> -> memref<1x8x8x129xf32, #tpu.memory_space<vmem>>
      %scatter3A_207 = tpu.memref_squeeze %scatter3A_206 : memref<1x8x8x129xf32, #tpu.memory_space<vmem>> -> memref<8x8x129xf32, #tpu.memory_space<vmem>>
      tpu.vector_store_idx %scatter3A_207[%shift_right_arithmetic3A_200, %and3A_203, %broadcast_in_dim3A], %scan3A_175#0 : memref<8x8x129xf32, #tpu.memory_space<vmem>>[vector<16xi32>, vector<16xi32>, vector<16xi32>], vector<16xf32>,
      %add3A_208 = arith.constant 16 : i32
      %add3A_209 = vector.broadcast %add3A_208 : i32 to vector<16xi32>
      %add3A_210 = arith.addi %add3A_209, %iota3A : vector<16xi32>
      %shift_right_arithmetic3A_211 = arith.constant 3 : i32
      %shift_right_arithmetic3A_212 = vector.broadcast %shift_right_arithmetic3A_211 : i32 to vector<16xi32>
      %shift_right_arithmetic3A_213 = arith.shrsi %add3A_210, %shift_right_arithmetic3A_212 : vector<16xi32>
      %and3A_214 = arith.constant 7 : i32
      %and3A_215 = vector.broadcast %and3A_214 : i32 to vector<16xi32>
      %and3A_216 = arith.andi %add3A_210, %and3A_215 : vector<16xi32>
      %scatter3A_217 = arith.constant 0 : i32
      %scatter3A_218 = arith.constant 0 : i32
      %scatter3A_219 = arith.constant 0 : i32
      %scatter3A_220 = tpu.memref_slice %arg7[%and3A_133, %scatter3A_217, %scatter3A_218, %scatter3A_219] : memref<4x8x8x129xf32, #tpu.memory_space<vmem>> -> memref<1x8x8x129xf32, #tpu.memory_space<vmem>>
      %scatter3A_221 = tpu.memref_squeeze %scatter3A_220 : memref<1x8x8x129xf32, #tpu.memory_space<vmem>> -> memref<8x8x129xf32, #tpu.memory_space<vmem>>
      tpu.vector_store_idx %scatter3A_221[%shift_right_arithmetic3A_213, %and3A_216, %broadcast_in_dim3A], %scan3A_175#1 : memref<8x8x129xf32, #tpu.memory_space<vmem>>[vector<16xi32>, vector<16xi32>, vector<16xi32>], vector<16xf32>,
      %add3A_222 = arith.constant 32 : i32
      %add3A_223 = vector.broadcast %add3A_222 : i32 to vector<16xi32>
      %add3A_224 = arith.addi %add3A_223, %iota3A : vector<16xi32>
      %shift_right_arithmetic3A_225 = arith.constant 3 : i32
      %shift_right_arithmetic3A_226 = vector.broadcast %shift_right_arithmetic3A_225 : i32 to vector<16xi32>
      %shift_right_arithmetic3A_227 = arith.shrsi %add3A_224, %shift_right_arithmetic3A_226 : vector<16xi32>
      %and3A_228 = arith.constant 7 : i32
      %and3A_229 = vector.broadcast %and3A_228 : i32 to vector<16xi32>
      %and3A_230 = arith.andi %add3A_224, %and3A_229 : vector<16xi32>
      %scatter3A_231 = arith.constant 0 : i32
      %scatter3A_232 = arith.constant 0 : i32
      %scatter3A_233 = arith.constant 0 : i32
      %scatter3A_234 = tpu.memref_slice %arg7[%and3A_133, %scatter3A_231, %scatter3A_232, %scatter3A_233] : memref<4x8x8x129xf32, #tpu.memory_space<vmem>> -> memref<1x8x8x129xf32, #tpu.memory_space<vmem>>
      %scatter3A_235 = tpu.memref_squeeze %scatter3A_234 : memref<1x8x8x129xf32, #tpu.memory_space<vmem>> -> memref<8x8x129xf32, #tpu.memory_space<vmem>>
      tpu.vector_store_idx %scatter3A_235[%shift_right_arithmetic3A_227, %and3A_230, %broadcast_in_dim3A], %scan3A_175#2 : memref<8x8x129xf32, #tpu.memory_space<vmem>>[vector<16xi32>, vector<16xi32>, vector<16xi32>], vector<16xf32>,
      %add3A_236 = arith.constant 48 : i32
      %add3A_237 = vector.broadcast %add3A_236 : i32 to vector<16xi32>
      %add3A_238 = arith.addi %add3A_237, %iota3A : vector<16xi32>
      %shift_right_arithmetic3A_239 = arith.constant 3 : i32
      %shift_right_arithmetic3A_240 = vector.broadcast %shift_right_arithmetic3A_239 : i32 to vector<16xi32>
      %shift_right_arithmetic3A_241 = arith.shrsi %add3A_238, %shift_right_arithmetic3A_240 : vector<16xi32>
      %and3A_242 = arith.constant 7 : i32
      %and3A_243 = vector.broadcast %and3A_242 : i32 to vector<16xi32>
      %and3A_244 = arith.andi %add3A_238, %and3A_243 : vector<16xi32>
      %scatter3A_245 = arith.constant 0 : i32
      %scatter3A_246 = arith.constant 0 : i32
      %scatter3A_247 = arith.constant 0 : i32
      %scatter3A_248 = tpu.memref_slice %arg7[%and3A_133, %scatter3A_245, %scatter3A_246, %scatter3A_247] : memref<4x8x8x129xf32, #tpu.memory_space<vmem>> -> memref<1x8x8x129xf32, #tpu.memory_space<vmem>>
      %scatter3A_249 = tpu.memref_squeeze %scatter3A_248 : memref<1x8x8x129xf32, #tpu.memory_space<vmem>> -> memref<8x8x129xf32, #tpu.memory_space<vmem>>
      tpu.vector_store_idx %scatter3A_249[%shift_right_arithmetic3A_241, %and3A_244, %broadcast_in_dim3A], %scan3A_175#3 : memref<8x8x129xf32, #tpu.memory_space<vmem>>[vector<16xi32>, vector<16xi32>, vector<16xi32>], vector<16xf32>,
      %scan3A_250 = arith.constant 125 : i32
      %scan3A_251 = arith.addi %scan3A_171, %scan3A_250 : i32
      %add3A_252 = arith.constant 1 : i32
      %add3A_253 = arith.addi %scan3A_251, %add3A_252 : i32
      %get3A_254 = arith.index_cast %and3A_133 : i32 to index
      %get3A_255 = arith.index_cast %add3A_253 : i32 to index
      %get3A_256 = arith.constant 0 : index
      %get3A_257 = tpu.vector_load %arg6[%get3A_254, %get3A_255, %get3A_256] {strides = array<i32>} : memref<4x128x64xf32, #tpu.memory_space<vmem>>, vector<16xf32>,
      %get3A_258 = arith.index_cast %and3A_133 : i32 to index
      %get3A_259 = arith.index_cast %add3A_253 : i32 to index
      %get3A_260 = arith.constant 16 : index
      %get3A_261 = tpu.vector_load %arg6[%get3A_258, %get3A_259, %get3A_260] {strides = array<i32>} : memref<4x128x64xf32, #tpu.memory_space<vmem>>, vector<16xf32>,
      %get3A_262 = arith.index_cast %and3A_133 : i32 to index
      %get3A_263 = arith.index_cast %add3A_253 : i32 to index
      %get3A_264 = arith.constant 32 : index
      %get3A_265 = tpu.vector_load %arg6[%get3A_262, %get3A_263, %get3A_264] {strides = array<i32>} : memref<4x128x64xf32, #tpu.memory_space<vmem>>, vector<16xf32>,
      %get3A_266 = arith.index_cast %and3A_133 : i32 to index
      %get3A_267 = arith.index_cast %add3A_253 : i32 to index
      %get3A_268 = arith.constant 48 : index
      %get3A_269 = tpu.vector_load %arg6[%get3A_266, %get3A_267, %get3A_268] {strides = array<i32>} : memref<4x128x64xf32, #tpu.memory_space<vmem>>, vector<16xf32>,
      %broadcast_in_dim3A_270 = vector.broadcast %scan3A_251 : i32 to vector<16xi32>
      %add3A_271 = arith.constant 0 : i32
      %add3A_272 = vector.broadcast %add3A_271 : i32 to vector<16xi32>
      %add3A_273 = arith.addi %add3A_272, %iota3A : vector<16xi32>
      %shift_right_arithmetic3A_274 = arith.constant 3 : i32
      %shift_right_arithmetic3A_275 = vector.broadcast %shift_right_arithmetic3A_274 : i32 to vector<16xi32>
      %shift_right_arithmetic3A_276 = arith.shrsi %add3A_273, %shift_right_arithmetic3A_275 : vector<16xi32>
      %and3A_277 = arith.constant 7 : i32
      %and3A_278 = vector.broadcast %and3A_277 : i32 to vector<16xi32>
      %and3A_279 = arith.andi %add3A_273, %and3A_278 : vector<16xi32>
      %scatter3A_280 = arith.constant 0 : i32
      %scatter3A_281 = arith.constant 0 : i32
      %scatter3A_282 = arith.constant 0 : i32
      %scatter3A_283 = tpu.memref_slice %arg7[%and3A_133, %scatter3A_280, %scatter3A_281, %scatter3A_282] : memref<4x8x8x129xf32, #tpu.memory_space<vmem>> -> memref<1x8x8x129xf32, #tpu.memory_space<vmem>>
      %scatter3A_284 = tpu.memref_squeeze %scatter3A_283 : memref<1x8x8x129xf32, #tpu.memory_space<vmem>> -> memref<8x8x129xf32, #tpu.memory_space<vmem>>
      tpu.vector_store_idx %scatter3A_284[%shift_right_arithmetic3A_276, %and3A_279, %broadcast_in_dim3A_270], %get3A_183 : memref<8x8x129xf32, #tpu.memory_space<vmem>>[vector<16xi32>, vector<16xi32>, vector<16xi32>], vector<16xf32>,
      %add3A_285 = arith.constant 16 : i32
      %add3A_286 = vector.broadcast %add3A_285 : i32 to vector<16xi32>
      %add3A_287 = arith.addi %add3A_286, %iota3A : vector<16xi32>
      %shift_right_arithmetic3A_288 = arith.constant 3 : i32
      %shift_right_arithmetic3A_289 = vector.broadcast %shift_right_arithmetic3A_288 : i32 to vector<16xi32>
      %shift_right_arithmetic3A_290 = arith.shrsi %add3A_287, %shift_right_arithmetic3A_289 : vector<16xi32>
      %and3A_291 = arith.constant 7 : i32
      %and3A_292 = vector.broadcast %and3A_291 : i32 to vector<16xi32>
      %and3A_293 = arith.andi %add3A_287, %and3A_292 : vector<16xi32>
      %scatter3A_294 = arith.constant 0 : i32
      %scatter3A_295 = arith.constant 0 : i32
      %scatter3A_296 = arith.constant 0 : i32
      %scatter3A_297 = tpu.memref_slice %arg7[%and3A_133, %scatter3A_294, %scatter3A_295, %scatter3A_296] : memref<4x8x8x129xf32, #tpu.memory_space<vmem>> -> memref<1x8x8x129xf32, #tpu.memory_space<vmem>>
      %scatter3A_298 = tpu.memref_squeeze %scatter3A_297 : memref<1x8x8x129xf32, #tpu.memory_space<vmem>> -> memref<8x8x129xf32, #tpu.memory_space<vmem>>
      tpu.vector_store_idx %scatter3A_298[%shift_right_arithmetic3A_290, %and3A_293, %broadcast_in_dim3A_270], %get3A_187 : memref<8x8x129xf32, #tpu.memory_space<vmem>>[vector<16xi32>, vector<16xi32>, vector<16xi32>], vector<16xf32>,
      %add3A_299 = arith.constant 32 : i32
      %add3A_300 = vector.broadcast %add3A_299 : i32 to vector<16xi32>
      %add3A_301 = arith.addi %add3A_300, %iota3A : vector<16xi32>
      %shift_right_arithmetic3A_302 = arith.constant 3 : i32
      %shift_right_arithmetic3A_303 = vector.broadcast %shift_right_arithmetic3A_302 : i32 to vector<16xi32>
      %shift_right_arithmetic3A_304 = arith.shrsi %add3A_301, %shift_right_arithmetic3A_303 : vector<16xi32>
      %and3A_305 = arith.constant 7 : i32
      %and3A_306 = vector.broadcast %and3A_305 : i32 to vector<16xi32>
      %and3A_307 = arith.andi %add3A_301, %and3A_306 : vector<16xi32>
      %scatter3A_308 = arith.constant 0 : i32
      %scatter3A_309 = arith.constant 0 : i32
      %scatter3A_310 = arith.constant 0 : i32
      %scatter3A_311 = tpu.memref_slice %arg7[%and3A_133, %scatter3A_308, %scatter3A_309, %scatter3A_310] : memref<4x8x8x129xf32, #tpu.memory_space<vmem>> -> memref<1x8x8x129xf32, #tpu.memory_space<vmem>>
      %scatter3A_312 = tpu.memref_squeeze %scatter3A_311 : memref<1x8x8x129xf32, #tpu.memory_space<vmem>> -> memref<8x8x129xf32, #tpu.memory_space<vmem>>
      tpu.vector_store_idx %scatter3A_312[%shift_right_arithmetic3A_304, %and3A_307, %broadcast_in_dim3A_270], %get3A_191 : memref<8x8x129xf32, #tpu.memory_space<vmem>>[vector<16xi32>, vector<16xi32>, vector<16xi32>], vector<16xf32>,
      %add3A_313 = arith.constant 48 : i32
      %add3A_314 = vector.broadcast %add3A_313 : i32 to vector<16xi32>
      %add3A_315 = arith.addi %add3A_314, %iota3A : vector<16xi32>
      %shift_right_arithmetic3A_316 = arith.constant 3 : i32
      %shift_right_arithmetic3A_317 = vector.broadcast %shift_right_arithmetic3A_316 : i32 to vector<16xi32>
      %shift_right_arithmetic3A_318 = arith.shrsi %add3A_315, %shift_right_arithmetic3A_317 : vector<16xi32>
      %and3A_319 = arith.constant 7 : i32
      %and3A_320 = vector.broadcast %and3A_319 : i32 to vector<16xi32>
      %and3A_321 = arith.andi %add3A_315, %and3A_320 : vector<16xi32>
      %scatter3A_322 = arith.constant 0 : i32
      %scatter3A_323 = arith.constant 0 : i32
      %scatter3A_324 = arith.constant 0 : i32
      %scatter3A_325 = tpu.memref_slice %arg7[%and3A_133, %scatter3A_322, %scatter3A_323, %scatter3A_324] : memref<4x8x8x129xf32, #tpu.memory_space<vmem>> -> memref<1x8x8x129xf32, #tpu.memory_space<vmem>>
      %scatter3A_326 = tpu.memref_squeeze %scatter3A_325 : memref<1x8x8x129xf32, #tpu.memory_space<vmem>> -> memref<8x8x129xf32, #tpu.memory_space<vmem>>
      tpu.vector_store_idx %scatter3A_326[%shift_right_arithmetic3A_318, %and3A_321, %broadcast_in_dim3A_270], %get3A_195 : memref<8x8x129xf32, #tpu.memory_space<vmem>>[vector<16xi32>, vector<16xi32>, vector<16xi32>], vector<16xf32>,
      %scan3A_327 = arith.constant 126 : i32
      %scan3A_328 = arith.addi %scan3A_171, %scan3A_327 : i32
      %add3A_329 = arith.constant 1 : i32
      %add3A_330 = arith.addi %scan3A_328, %add3A_329 : i32
      %get3A_331 = arith.index_cast %and3A_133 : i32 to index
      %get3A_332 = arith.index_cast %add3A_330 : i32 to index
      %get3A_333 = arith.constant 0 : index
      %get3A_334 = tpu.vector_load %arg6[%get3A_331, %get3A_332, %get3A_333] {strides = array<i32>} : memref<4x128x64xf32, #tpu.memory_space<vmem>>, vector<16xf32>,
      %get3A_335 = arith.index_cast %and3A_133 : i32 to index
      %get3A_336 = arith.index_cast %add3A_330 : i32 to index
      %get3A_337 = arith.constant 16 : index
      %get3A_338 = tpu.vector_load %arg6[%get3A_335, %get3A_336, %get3A_337] {strides = array<i32>} : memref<4x128x64xf32, #tpu.memory_space<vmem>>, vector<16xf32>,
      %get3A_339 = arith.index_cast %and3A_133 : i32 to index
      %get3A_340 = arith.index_cast %add3A_330 : i32 to index
      %get3A_341 = arith.constant 32 : index
      %get3A_342 = tpu.vector_load %arg6[%get3A_339, %get3A_340, %get3A_341] {strides = array<i32>} : memref<4x128x64xf32, #tpu.memory_space<vmem>>, vector<16xf32>,
      %get3A_343 = arith.index_cast %and3A_133 : i32 to index
      %get3A_344 = arith.index_cast %add3A_330 : i32 to index
      %get3A_345 = arith.constant 48 : index
      %get3A_346 = tpu.vector_load %arg6[%get3A_343, %get3A_344, %get3A_345] {strides = array<i32>} : memref<4x128x64xf32, #tpu.memory_space<vmem>>, vector<16xf32>,
      %broadcast_in_dim3A_347 = vector.broadcast %scan3A_328 : i32 to vector<16xi32>
      %add3A_348 = arith.constant 0 : i32
      %add3A_349 = vector.broadcast %add3A_348 : i32 to vector<16xi32>
      %add3A_350 = arith.addi %add3A_349, %iota3A : vector<16xi32>
      %shift_right_arithmetic3A_351 = arith.constant 3 : i32
      %shift_right_arithmetic3A_352 = vector.broadcast %shift_right_arithmetic3A_351 : i32 to vector<16xi32>
      %shift_right_arithmetic3A_353 = arith.shrsi %add3A_350, %shift_right_arithmetic3A_352 : vector<16xi32>
      %and3A_354 = arith.constant 7 : i32
      %and3A_355 = vector.broadcast %and3A_354 : i32 to vector<16xi32>
      %and3A_356 = arith.andi %add3A_350, %and3A_355 : vector<16xi32>
      %scatter3A_357 = arith.constant 0 : i32
      %scatter3A_358 = arith.constant 0 : i32
      %scatter3A_359 = arith.constant 0 : i32
      %scatter3A_360 = tpu.memref_slice %arg7[%and3A_133, %scatter3A_357, %scatter3A_358, %scatter3A_359] : memref<4x8x8x129xf32, #tpu.memory_space<vmem>> -> memref<1x8x8x129xf32, #tpu.memory_space<vmem>>
      %scatter3A_361 = tpu.memref_squeeze %scatter3A_360 : memref<1x8x8x129xf32, #tpu.memory_space<vmem>> -> memref<8x8x129xf32, #tpu.memory_space<vmem>>
      tpu.vector_store_idx %scatter3A_361[%shift_right_arithmetic3A_353, %and3A_356, %broadcast_in_dim3A_347], %get3A_257 : memref<8x8x129xf32, #tpu.memory_space<vmem>>[vector<16xi32>, vector<16xi32>, vector<16xi32>], vector<16xf32>,
      %add3A_362 = arith.constant 16 : i32
      %add3A_363 = vector.broadcast %add3A_362 : i32 to vector<16xi32>
      %add3A_364 = arith.addi %add3A_363, %iota3A : vector<16xi32>
      %shift_right_arithmetic3A_365 = arith.constant 3 : i32
      %shift_right_arithmetic3A_366 = vector.broadcast %shift_right_arithmetic3A_365 : i32 to vector<16xi32>
      %shift_right_arithmetic3A_367 = arith.shrsi %add3A_364, %shift_right_arithmetic3A_366 : vector<16xi32>
      %and3A_368 = arith.constant 7 : i32
      %and3A_369 = vector.broadcast %and3A_368 : i32 to vector<16xi32>
      %and3A_370 = arith.andi %add3A_364, %and3A_369 : vector<16xi32>
      %scatter3A_371 = arith.constant 0 : i32
      %scatter3A_372 = arith.constant 0 : i32
      %scatter3A_373 = arith.constant 0 : i32
      %scatter3A_374 = tpu.memref_slice %arg7[%and3A_133, %scatter3A_371, %scatter3A_372, %scatter3A_373] : memref<4x8x8x129xf32, #tpu.memory_space<vmem>> -> memref<1x8x8x129xf32, #tpu.memory_space<vmem>>
      %scatter3A_375 = tpu.memref_squeeze %scatter3A_374 : memref<1x8x8x129xf32, #tpu.memory_space<vmem>> -> memref<8x8x129xf32, #tpu.memory_space<vmem>>
      tpu.vector_store_idx %scatter3A_375[%shift_right_arithmetic3A_367, %and3A_370, %broadcast_in_dim3A_347], %get3A_261 : memref<8x8x129xf32, #tpu.memory_space<vmem>>[vector<16xi32>, vector<16xi32>, vector<16xi32>], vector<16xf32>,
      %add3A_376 = arith.constant 32 : i32
      %add3A_377 = vector.broadcast %add3A_376 : i32 to vector<16xi32>
      %add3A_378 = arith.addi %add3A_377, %iota3A : vector<16xi32>
      %shift_right_arithmetic3A_379 = arith.constant 3 : i32
      %shift_right_arithmetic3A_380 = vector.broadcast %shift_right_arithmetic3A_379 : i32 to vector<16xi32>
      %shift_right_arithmetic3A_381 = arith.shrsi %add3A_378, %shift_right_arithmetic3A_380 : vector<16xi32>
      %and3A_382 = arith.constant 7 : i32
      %and3A_383 = vector.broadcast %and3A_382 : i32 to vector<16xi32>
      %and3A_384 = arith.andi %add3A_378, %and3A_383 : vector<16xi32>
      %scatter3A_385 = arith.constant 0 : i32
      %scatter3A_386 = arith.constant 0 : i32
      %scatter3A_387 = arith.constant 0 : i32
      %scatter3A_388 = tpu.memref_slice %arg7[%and3A_133, %scatter3A_385, %scatter3A_386, %scatter3A_387] : memref<4x8x8x129xf32, #tpu.memory_space<vmem>> -> memref<1x8x8x129xf32, #tpu.memory_space<vmem>>
      %scatter3A_389 = tpu.memref_squeeze %scatter3A_388 : memref<1x8x8x129xf32, #tpu.memory_space<vmem>> -> memref<8x8x129xf32, #tpu.memory_space<vmem>>
      tpu.vector_store_idx %scatter3A_389[%shift_right_arithmetic3A_381, %and3A_384, %broadcast_in_dim3A_347], %get3A_265 : memref<8x8x129xf32, #tpu.memory_space<vmem>>[vector<16xi32>, vector<16xi32>, vector<16xi32>], vector<16xf32>,
      %add3A_390 = arith.constant 48 : i32
      %add3A_391 = vector.broadcast %add3A_390 : i32 to vector<16xi32>
      %add3A_392 = arith.addi %add3A_391, %iota3A : vector<16xi32>
      %shift_right_arithmetic3A_393 = arith.constant 3 : i32
      %shift_right_arithmetic3A_394 = vector.broadcast %shift_right_arithmetic3A_393 : i32 to vector<16xi32>
      %shift_right_arithmetic3A_395 = arith.shrsi %add3A_392, %shift_right_arithmetic3A_394 : vector<16xi32>
      %and3A_396 = arith.constant 7 : i32
      %and3A_397 = vector.broadcast %and3A_396 : i32 to vector<16xi32>
      %and3A_398 = arith.andi %add3A_392, %and3A_397 : vector<16xi32>
      %scatter3A_399 = arith.constant 0 : i32
      %scatter3A_400 = arith.constant 0 : i32
      %scatter3A_401 = arith.constant 0 : i32
      %scatter3A_402 = tpu.memref_slice %arg7[%and3A_133, %scatter3A_399, %scatter3A_400, %scatter3A_401] : memref<4x8x8x129xf32, #tpu.memory_space<vmem>> -> memref<1x8x8x129xf32, #tpu.memory_space<vmem>>
      %scatter3A_403 = tpu.memref_squeeze %scatter3A_402 : memref<1x8x8x129xf32, #tpu.memory_space<vmem>> -> memref<8x8x129xf32, #tpu.memory_space<vmem>>
      tpu.vector_store_idx %scatter3A_403[%shift_right_arithmetic3A_395, %and3A_398, %broadcast_in_dim3A_347], %get3A_269 : memref<8x8x129xf32, #tpu.memory_space<vmem>>[vector<16xi32>, vector<16xi32>, vector<16xi32>], vector<16xf32>,
      %scan3A_404 = arith.constant 127 : i32
      %broadcast_in_dim3A_405 = arith.constant 127 : i32
      %broadcast_in_dim3A_406 = vector.broadcast %broadcast_in_dim3A_405 : i32 to vector<16xi32>
      %add3A_407 = arith.constant 0 : i32
      %add3A_408 = vector.broadcast %add3A_407 : i32 to vector<16xi32>
      %add3A_409 = arith.addi %add3A_408, %iota3A : vector<16xi32>
      %shift_right_arithmetic3A_410 = arith.constant 3 : i32
      %shift_right_arithmetic3A_411 = vector.broadcast %shift_right_arithmetic3A_410 : i32 to vector<16xi32>
      %shift_right_arithmetic3A_412 = arith.shrsi %add3A_409, %shift_right_arithmetic3A_411 : vector<16xi32>
      %and3A_413 = arith.constant 7 : i32
      %and3A_414 = vector.broadcast %and3A_413 : i32 to vector<16xi32>
      %and3A_415 = arith.andi %add3A_409, %and3A_414 : vector<16xi32>
      %scatter3A_416 = arith.constant 0 : i32
      %scatter3A_417 = arith.constant 0 : i32
      %scatter3A_418 = arith.constant 0 : i32
      %scatter3A_419 = tpu.memref_slice %arg7[%and3A_133, %scatter3A_416, %scatter3A_417, %scatter3A_418] : memref<4x8x8x129xf32, #tpu.memory_space<vmem>> -> memref<1x8x8x129xf32, #tpu.memory_space<vmem>>
      %scatter3A_420 = tpu.memref_squeeze %scatter3A_419 : memref<1x8x8x129xf32, #tpu.memory_space<vmem>> -> memref<8x8x129xf32, #tpu.memory_space<vmem>>
      tpu.vector_store_idx %scatter3A_420[%shift_right_arithmetic3A_412, %and3A_415, %broadcast_in_dim3A_406], %get3A_334 : memref<8x8x129xf32, #tpu.memory_space<vmem>>[vector<16xi32>, vector<16xi32>, vector<16xi32>], vector<16xf32>,
      %add3A_421 = arith.constant 16 : i32
      %add3A_422 = vector.broadcast %add3A_421 : i32 to vector<16xi32>
      %add3A_423 = arith.addi %add3A_422, %iota3A : vector<16xi32>
      %shift_right_arithmetic3A_424 = arith.constant 3 : i32
      %shift_right_arithmetic3A_425 = vector.broadcast %shift_right_arithmetic3A_424 : i32 to vector<16xi32>
      %shift_right_arithmetic3A_426 = arith.shrsi %add3A_423, %shift_right_arithmetic3A_425 : vector<16xi32>
      %and3A_427 = arith.constant 7 : i32
      %and3A_428 = vector.broadcast %and3A_427 : i32 to vector<16xi32>
      %and3A_429 = arith.andi %add3A_423, %and3A_428 : vector<16xi32>
      %scatter3A_430 = arith.constant 0 : i32
      %scatter3A_431 = arith.constant 0 : i32
      %scatter3A_432 = arith.constant 0 : i32
      %scatter3A_433 = tpu.memref_slice %arg7[%and3A_133, %scatter3A_430, %scatter3A_431, %scatter3A_432] : memref<4x8x8x129xf32, #tpu.memory_space<vmem>> -> memref<1x8x8x129xf32, #tpu.memory_space<vmem>>
      %scatter3A_434 = tpu.memref_squeeze %scatter3A_433 : memref<1x8x8x129xf32, #tpu.memory_space<vmem>> -> memref<8x8x129xf32, #tpu.memory_space<vmem>>
      tpu.vector_store_idx %scatter3A_434[%shift_right_arithmetic3A_426, %and3A_429, %broadcast_in_dim3A_406], %get3A_338 : memref<8x8x129xf32, #tpu.memory_space<vmem>>[vector<16xi32>, vector<16xi32>, vector<16xi32>], vector<16xf32>,
      %add3A_435 = arith.constant 32 : i32
      %add3A_436 = vector.broadcast %add3A_435 : i32 to vector<16xi32>
      %add3A_437 = arith.addi %add3A_436, %iota3A : vector<16xi32>
      %shift_right_arithmetic3A_438 = arith.constant 3 : i32
      %shift_right_arithmetic3A_439 = vector.broadcast %shift_right_arithmetic3A_438 : i32 to vector<16xi32>
      %shift_right_arithmetic3A_440 = arith.shrsi %add3A_437, %shift_right_arithmetic3A_439 : vector<16xi32>
      %and3A_441 = arith.constant 7 : i32
      %and3A_442 = vector.broadcast %and3A_441 : i32 to vector<16xi32>
      %and3A_443 = arith.andi %add3A_437, %and3A_442 : vector<16xi32>
      %scatter3A_444 = arith.constant 0 : i32
      %scatter3A_445 = arith.constant 0 : i32
      %scatter3A_446 = arith.constant 0 : i32
      %scatter3A_447 = tpu.memref_slice %arg7[%and3A_133, %scatter3A_444, %scatter3A_445, %scatter3A_446] : memref<4x8x8x129xf32, #tpu.memory_space<vmem>> -> memref<1x8x8x129xf32, #tpu.memory_space<vmem>>
      %scatter3A_448 = tpu.memref_squeeze %scatter3A_447 : memref<1x8x8x129xf32, #tpu.memory_space<vmem>> -> memref<8x8x129xf32, #tpu.memory_space<vmem>>
      tpu.vector_store_idx %scatter3A_448[%shift_right_arithmetic3A_440, %and3A_443, %broadcast_in_dim3A_406], %get3A_342 : memref<8x8x129xf32, #tpu.memory_space<vmem>>[vector<16xi32>, vector<16xi32>, vector<16xi32>], vector<16xf32>,
      %add3A_449 = arith.constant 48 : i32
      %add3A_450 = vector.broadcast %add3A_449 : i32 to vector<16xi32>
      %add3A_451 = arith.addi %add3A_450, %iota3A : vector<16xi32>
      %shift_right_arithmetic3A_452 = arith.constant 3 : i32
      %shift_right_arithmetic3A_453 = vector.broadcast %shift_right_arithmetic3A_452 : i32 to vector<16xi32>
      %shift_right_arithmetic3A_454 = arith.shrsi %add3A_451, %shift_right_arithmetic3A_453 : vector<16xi32>
      %and3A_455 = arith.constant 7 : i32
      %and3A_456 = vector.broadcast %and3A_455 : i32 to vector<16xi32>
      %and3A_457 = arith.andi %add3A_451, %and3A_456 : vector<16xi32>
      %scatter3A_458 = arith.constant 0 : i32
      %scatter3A_459 = arith.constant 0 : i32
      %scatter3A_460 = arith.constant 0 : i32
      %scatter3A_461 = tpu.memref_slice %arg7[%and3A_133, %scatter3A_458, %scatter3A_459, %scatter3A_460] : memref<4x8x8x129xf32, #tpu.memory_space<vmem>> -> memref<1x8x8x129xf32, #tpu.memory_space<vmem>>
      %scatter3A_462 = tpu.memref_squeeze %scatter3A_461 : memref<1x8x8x129xf32, #tpu.memory_space<vmem>> -> memref<8x8x129xf32, #tpu.memory_space<vmem>>
      tpu.vector_store_idx %scatter3A_462[%shift_right_arithmetic3A_454, %and3A_457, %broadcast_in_dim3A_406], %get3A_346 : memref<8x8x129xf32, #tpu.memory_space<vmem>>[vector<16xi32>, vector<16xi32>, vector<16xi32>], vector<16xf32>,
      %dma_start3A_463 = arith.constant 0 : i32
      %dma_start3A_464 = arith.constant 0 : i32
      %dma_start3A_465 = arith.constant 0 : i32
      %dma_start3A_466 = tpu.memref_slice %arg7[%and3A_133, %dma_start3A_463, %dma_start3A_464, %dma_start3A_465] : memref<4x8x8x129xf32, #tpu.memory_space<vmem>> -> memref<1x8x8x128xf32, #tpu.memory_space<vmem>>
      %dma_start3A_467 = tpu.memref_squeeze %dma_start3A_466 : memref<1x8x8x128xf32, #tpu.memory_space<vmem>> -> memref<8x8x128xf32, #tpu.memory_space<vmem>>
      %dma_start3A_468 = arith.constant 0 : i32
      %dma_start3A_469 = arith.constant 0 : i32
      %dma_start3A_470 = arith.constant 0 : i32
      %dma_start3A_471 = tpu.memref_slice %arg4[%scan3A_131, %dma_start3A_468, %add3A, %dma_start3A_469, %dma_start3A_470] : memref<200x8x32x8x128xf32, #tpu.memory_space<hbm>> -> memref<1x8x1x8x128xf32, #tpu.memory_space<hbm>>
      %dma_start3A_472 = tpu.memref_squeeze %dma_start3A_471 : memref<1x8x1x8x128xf32, #tpu.memory_space<hbm>> -> memref<8x8x128xf32, #tpu.memory_space<hbm>>
      %dma_start3A_473 = arith.constant 0 : i32
      %dma_start3A_474 = arith.constant 0 : i32
      %dma_start3A_475 = arith.constant 0 : i32
      %dma_start3A_476 = tpu.memref_slice %arg4[%scan3A_131, %dma_start3A_473, %add3A, %dma_start3A_474, %dma_start3A_475] : memref<200x8x32x8x128xf32, #tpu.memory_space<hbm>> -> memref<1x8x1x8x128xf32, #tpu.memory_space<hbm>>
      %dma_start3A_477 = tpu.memref_squeeze %dma_start3A_476 : memref<1x8x1x8x128xf32, #tpu.memory_space<hbm>> -> memref<8x8x128xf32, #tpu.memory_space<hbm>>
      %dma_start3A_478 = arith.constant 0 : i32
      %dma_start3A_479 = arith.constant 0 : i32
      %dma_start3A_480 = arith.constant 0 : i32
      %dma_start3A_481 = tpu.memref_slice %arg7[%and3A_133, %dma_start3A_478, %dma_start3A_479, %dma_start3A_480] : memref<4x8x8x129xf32, #tpu.memory_space<vmem>> -> memref<1x8x8x128xf32, #tpu.memory_space<vmem>>
      %dma_start3A_482 = tpu.memref_squeeze %dma_start3A_481 : memref<1x8x8x128xf32, #tpu.memory_space<vmem>> -> memref<8x8x128xf32, #tpu.memory_space<vmem>>
      tpu.enqueue_dma source(%dma_start3A_482 : memref<8x8x128xf32, #tpu.memory_space<vmem>>) target(%dma_start3A_477 : memref<8x8x128xf32, #tpu.memory_space<hbm>>) target_semaphore(%arg9 : memref<!tpu.dma_semaphore, #tpu.memory_space<semaphore_mem>>)
      %scan3A_483 = arith.constant 0 : i32
      scf.yield %scan3A_483 : i32
    }
    %scan3A_43 = arith.constant 200 : i32
    %dma_wait3A = arith.constant 0 : i32
    %dma_wait3A_44 = arith.constant 0 : i32
    %dma_wait3A_45 = arith.constant 0 : i32
    %dma_wait3A_46 = arith.constant 0 : i32
    %dma_wait3A_47 = arith.constant 0 : i32
    %dma_wait3A_48 = tpu.memref_slice %arg7[%dma_wait3A, %dma_wait3A_45, %dma_wait3A_46, %dma_wait3A_47] : memref<4x8x8x129xf32, #tpu.memory_space<vmem>> -> memref<1x8x8x128xf32, #tpu.memory_space<vmem>>
    %dma_wait3A_49 = tpu.memref_squeeze %dma_wait3A_48 : memref<1x8x8x128xf32, #tpu.memory_space<vmem>> -> memref<8x8x128xf32, #tpu.memory_space<vmem>>
    %dma_wait3A_50 = arith.constant 0 : i32
    %dma_wait3A_51 = arith.constant 0 : i32
    %dma_wait3A_52 = arith.constant 0 : i32
    %dma_wait3A_53 = tpu.memref_slice %arg4[%dma_wait3A_44, %dma_wait3A_50, %add3A, %dma_wait3A_51, %dma_wait3A_52] : memref<200x8x32x8x128xf32, #tpu.memory_space<hbm>> -> memref<1x8x1x8x128xf32, #tpu.memory_space<hbm>>
    %dma_wait3A_54 = tpu.memref_squeeze %dma_wait3A_53 : memref<1x8x1x8x128xf32, #tpu.memory_space<hbm>> -> memref<8x8x128xf32, #tpu.memory_space<hbm>>
    %dma_wait3A_55 = arith.constant 0 : i32
    %dma_wait3A_56 = arith.constant 0 : i32
    %dma_wait3A_57 = arith.constant 0 : i32
    %dma_wait3A_58 = tpu.memref_slice %arg4[%dma_wait3A_44, %dma_wait3A_55, %add3A, %dma_wait3A_56, %dma_wait3A_57] : memref<200x8x32x8x128xf32, #tpu.memory_space<hbm>> -> memref<1x8x1x8x128xf32, #tpu.memory_space<hbm>>
    %dma_wait3A_59 = tpu.memref_squeeze %dma_wait3A_58 : memref<1x8x1x8x128xf32, #tpu.memory_space<hbm>> -> memref<8x8x128xf32, #tpu.memory_space<hbm>>
    %dma_wait3A_60 = arith.constant 0 : i32
    %dma_wait3A_61 = arith.constant 0 : i32
    %dma_wait3A_62 = arith.constant 0 : i32
    %dma_wait3A_63 = tpu.memref_slice %arg7[%dma_wait3A, %dma_wait3A_60, %dma_wait3A_61, %dma_wait3A_62] : memref<4x8x8x129xf32, #tpu.memory_space<vmem>> -> memref<1x8x8x128xf32, #tpu.memory_space<vmem>>
    %dma_wait3A_64 = tpu.memref_squeeze %dma_wait3A_63 : memref<1x8x8x128xf32, #tpu.memory_space<vmem>> -> memref<8x8x128xf32, #tpu.memory_space<vmem>>
    tpu.wait_dma2 semaphore(%arg9 : memref<!tpu.dma_semaphore, #tpu.memory_space<semaphore_mem>>) src(%dma_wait3A_64 : memref<8x8x128xf32, #tpu.memory_space<vmem>>) dst(%dma_wait3A_59 : memref<8x8x128xf32, #tpu.memory_space<hbm>>)
    %dma_wait3A_65 = arith.constant 0 : i32
    %dma_wait3A_66 = arith.constant 0 : i32
    %dma_wait3A_67 = arith.constant 0 : i32
    %dma_wait3A_68 = arith.constant 0 : i32
    %dma_wait3A_69 = arith.constant 0 : i32
    %dma_wait3A_70 = tpu.memref_slice %arg7[%dma_wait3A_65, %dma_wait3A_67, %dma_wait3A_68, %dma_wait3A_69] : memref<4x8x8x129xf32, #tpu.memory_space<vmem>> -> memref<1x8x8x128xf32, #tpu.memory_space<vmem>>
    %dma_wait3A_71 = tpu.memref_squeeze %dma_wait3A_70 : memref<1x8x8x128xf32, #tpu.memory_space<vmem>> -> memref<8x8x128xf32, #tpu.memory_space<vmem>>
    %dma_wait3A_72 = arith.constant 0 : i32
    %dma_wait3A_73 = arith.constant 0 : i32
    %dma_wait3A_74 = arith.constant 0 : i32
    %dma_wait3A_75 = tpu.memref_slice %arg4[%dma_wait3A_66, %dma_wait3A_72, %add3A, %dma_wait3A_73, %dma_wait3A_74] : memref<200x8x32x8x128xf32, #tpu.memory_space<hbm>> -> memref<1x8x1x8x128xf32, #tpu.memory_space<hbm>>
    %dma_wait3A_76 = tpu.memref_squeeze %dma_wait3A_75 : memref<1x8x1x8x128xf32, #tpu.memory_space<hbm>> -> memref<8x8x128xf32, #tpu.memory_space<hbm>>
    %dma_wait3A_77 = arith.constant 0 : i32
    %dma_wait3A_78 = arith.constant 0 : i32
    %dma_wait3A_79 = arith.constant 0 : i32
    %dma_wait3A_80 = tpu.memref_slice %arg4[%dma_wait3A_66, %dma_wait3A_77, %add3A, %dma_wait3A_78, %dma_wait3A_79] : memref<200x8x32x8x128xf32, #tpu.memory_space<hbm>> -> memref<1x8x1x8x128xf32, #tpu.memory_space<hbm>>
    %dma_wait3A_81 = tpu.memref_squeeze %dma_wait3A_80 : memref<1x8x1x8x128xf32, #tpu.memory_space<hbm>> -> memref<8x8x128xf32, #tpu.memory_space<hbm>>
    %dma_wait3A_82 = arith.constant 0 : i32
    %dma_wait3A_83 = arith.constant 0 : i32
    %dma_wait3A_84 = arith.constant 0 : i32
    %dma_wait3A_85 = tpu.memref_slice %arg7[%dma_wait3A_65, %dma_wait3A_82, %dma_wait3A_83, %dma_wait3A_84] : memref<4x8x8x129xf32, #tpu.memory_space<vmem>> -> memref<1x8x8x128xf32, #tpu.memory_space<vmem>>
    %dma_wait3A_86 = tpu.memref_squeeze %dma_wait3A_85 : memref<1x8x8x128xf32, #tpu.memory_space<vmem>> -> memref<8x8x128xf32, #tpu.memory_space<vmem>>
    tpu.wait_dma2 semaphore(%arg9 : memref<!tpu.dma_semaphore, #tpu.memory_space<semaphore_mem>>) src(%dma_wait3A_86 : memref<8x8x128xf32, #tpu.memory_space<vmem>>) dst(%dma_wait3A_81 : memref<8x8x128xf32, #tpu.memory_space<hbm>>)
    %dma_wait3A_87 = arith.constant 0 : i32
    %dma_wait3A_88 = arith.constant 0 : i32
    %dma_wait3A_89 = arith.constant 0 : i32
    %dma_wait3A_90 = arith.constant 0 : i32
    %dma_wait3A_91 = arith.constant 0 : i32
    %dma_wait3A_92 = tpu.memref_slice %arg7[%dma_wait3A_87, %dma_wait3A_89, %dma_wait3A_90, %dma_wait3A_91] : memref<4x8x8x129xf32, #tpu.memory_space<vmem>> -> memref<1x8x8x128xf32, #tpu.memory_space<vmem>>
    %dma_wait3A_93 = tpu.memref_squeeze %dma_wait3A_92 : memref<1x8x8x128xf32, #tpu.memory_space<vmem>> -> memref<8x8x128xf32, #tpu.memory_space<vmem>>
    %dma_wait3A_94 = arith.constant 0 : i32
    %dma_wait3A_95 = arith.constant 0 : i32
    %dma_wait3A_96 = arith.constant 0 : i32
    %dma_wait3A_97 = tpu.memref_slice %arg4[%dma_wait3A_88, %dma_wait3A_94, %add3A, %dma_wait3A_95, %dma_wait3A_96] : memref<200x8x32x8x128xf32, #tpu.memory_space<hbm>> -> memref<1x8x1x8x128xf32, #tpu.memory_space<hbm>>
    %dma_wait3A_98 = tpu.memref_squeeze %dma_wait3A_97 : memref<1x8x1x8x128xf32, #tpu.memory_space<hbm>> -> memref<8x8x128xf32, #tpu.memory_space<hbm>>
    %dma_wait3A_99 = arith.constant 0 : i32
    %dma_wait3A_100 = arith.constant 0 : i32
    %dma_wait3A_101 = arith.constant 0 : i32
    %dma_wait3A_102 = tpu.memref_slice %arg4[%dma_wait3A_88, %dma_wait3A_99, %add3A, %dma_wait3A_100, %dma_wait3A_101] : memref<200x8x32x8x128xf32, #tpu.memory_space<hbm>> -> memref<1x8x1x8x128xf32, #tpu.memory_space<hbm>>
    %dma_wait3A_103 = tpu.memref_squeeze %dma_wait3A_102 : memref<1x8x1x8x128xf32, #tpu.memory_space<hbm>> -> memref<8x8x128xf32, #tpu.memory_space<hbm>>
    %dma_wait3A_104 = arith.constant 0 : i32
    %dma_wait3A_105 = arith.constant 0 : i32
    %dma_wait3A_106 = arith.constant 0 : i32
    %dma_wait3A_107 = tpu.memref_slice %arg7[%dma_wait3A_87, %dma_wait3A_104, %dma_wait3A_105, %dma_wait3A_106] : memref<4x8x8x129xf32, #tpu.memory_space<vmem>> -> memref<1x8x8x128xf32, #tpu.memory_space<vmem>>
    %dma_wait3A_108 = tpu.memref_squeeze %dma_wait3A_107 : memref<1x8x8x128xf32, #tpu.memory_space<vmem>> -> memref<8x8x128xf32, #tpu.memory_space<vmem>>
    tpu.wait_dma2 semaphore(%arg9 : memref<!tpu.dma_semaphore, #tpu.memory_space<semaphore_mem>>) src(%dma_wait3A_108 : memref<8x8x128xf32, #tpu.memory_space<vmem>>) dst(%dma_wait3A_103 : memref<8x8x128xf32, #tpu.memory_space<hbm>>)
    %dma_wait3A_109 = arith.constant 0 : i32
    %dma_wait3A_110 = arith.constant 0 : i32
    %dma_wait3A_111 = arith.constant 0 : i32
    %dma_wait3A_112 = arith.constant 0 : i32
    %dma_wait3A_113 = arith.constant 0 : i32
    %dma_wait3A_114 = tpu.memref_slice %arg7[%dma_wait3A_109, %dma_wait3A_111, %dma_wait3A_112, %dma_wait3A_113] : memref<4x8x8x129xf32, #tpu.memory_space<vmem>> -> memref<1x8x8x128xf32, #tpu.memory_space<vmem>>
    %dma_wait3A_115 = tpu.memref_squeeze %dma_wait3A_114 : memref<1x8x8x128xf32, #tpu.memory_space<vmem>> -> memref<8x8x128xf32, #tpu.memory_space<vmem>>
    %dma_wait3A_116 = arith.constant 0 : i32
    %dma_wait3A_117 = arith.constant 0 : i32
    %dma_wait3A_118 = arith.constant 0 : i32
    %dma_wait3A_119 = tpu.memref_slice %arg4[%dma_wait3A_110, %dma_wait3A_116, %add3A, %dma_wait3A_117, %dma_wait3A_118] : memref<200x8x32x8x128xf32, #tpu.memory_space<hbm>> -> memref<1x8x1x8x128xf32, #tpu.memory_space<hbm>>
    %dma_wait3A_120 = tpu.memref_squeeze %dma_wait3A_119 : memref<1x8x1x8x128xf32, #tpu.memory_space<hbm>> -> memref<8x8x128xf32, #tpu.memory_space<hbm>>
    %dma_wait3A_121 = arith.constant 0 : i32
    %dma_wait3A_122 = arith.constant 0 : i32
    %dma_wait3A_123 = arith.constant 0 : i32
    %dma_wait3A_124 = tpu.memref_slice %arg4[%dma_wait3A_110, %dma_wait3A_121, %add3A, %dma_wait3A_122, %dma_wait3A_123] : memref<200x8x32x8x128xf32, #tpu.memory_space<hbm>> -> memref<1x8x1x8x128xf32, #tpu.memory_space<hbm>>
    %dma_wait3A_125 = tpu.memref_squeeze %dma_wait3A_124 : memref<1x8x1x8x128xf32, #tpu.memory_space<hbm>> -> memref<8x8x128xf32, #tpu.memory_space<hbm>>
    %dma_wait3A_126 = arith.constant 0 : i32
    %dma_wait3A_127 = arith.constant 0 : i32
    %dma_wait3A_128 = arith.constant 0 : i32
    %dma_wait3A_129 = tpu.memref_slice %arg7[%dma_wait3A_109, %dma_wait3A_126, %dma_wait3A_127, %dma_wait3A_128] : memref<4x8x8x129xf32, #tpu.memory_space<vmem>> -> memref<1x8x8x128xf32, #tpu.memory_space<vmem>>
    %dma_wait3A_130 = tpu.memref_squeeze %dma_wait3A_129 : memref<1x8x8x128xf32, #tpu.memory_space<vmem>> -> memref<8x8x128xf32, #tpu.memory_space<vmem>>
    tpu.wait_dma2 semaphore(%arg9 : memref<!tpu.dma_semaphore, #tpu.memory_space<semaphore_mem>>) src(%dma_wait3A_130 : memref<8x8x128xf32, #tpu.memory_space<vmem>>) dst(%dma_wait3A_125 : memref<8x8x128xf32, #tpu.memory_space<hbm>>)
    return
  }
}

</mosaic_0001>

<sc_bundles>
// kernel: kernel.3.cloned.1.call-start
scs
__scs_entry_jumppad:
0x0: {  	(pc) =	sbr.rel $0x88, $3  }
0x1: {  	(tag) =	ssettag $0x0;
	lr =	simm.s32 $0x1  }
0x2: {  	[smem:$0x3F9F] =	sst lr;
	_ =	strace $0xD0000000  }
0x3: {  	_ = 	snop  }
0x4: {  	_ = 	snop  }
0x5: {  	_ = 	snop  }
0x6: {  	_ = 	snop  }
0x7: {  	_ = 	snop  }
__scs_overlays_trampoline_lowered:
0x8: {  	[smem:$0x3FAE] =	sst s0  }
0x9: {  	[smem:$0x3FAF] =	sst s1  }
0xa: {  	[smem:$0x3FB0] =	sst s2  }
0xb: {  	[smem:$0x3FB1] =	sst s3  }
0xc: {  	[smem:$0x3FB2] =	sst s4  }
0xd: {  	[smem:$0x3FB3] =	sst s5  }
0xe: {  	[smem:$0x3FB4] =	sst s6  }
0xf: {  	[smem:$0x3FB5] =	sst s7  }
0x10: {  	[smem:$0x3FB6] =	sst s8  }
0x11: {  	[smem:$0x3FB7] =	sst s9;
	s0 =	simm.s32 @!p0 $0x0  }
0x12: {  	s1 =	sld [smem:$0x3F9D];
	s0 =	simm.s32 @p0 $0x1  }
0x13: {  	[smem:$0x3FB8] =	sst s0;
	s0 =	simm.s32 @!p1 $0x0  }
0x14: {  	s2 =	sld [smem:$0x3F9C];
	s0 =	simm.s32 @p1 $0x1  }
0x15: {  	[smem:$0x3FB9] =	sst s0;
	s0 =	simm.s32 @!p2 $0x0  }
0x16: {  	s3 =	sld [smem:$0x3FDB];
	s0 =	simm.s32 @p2 $0x1  }
0x17: {  	s4 =	simm.s32 $0x1BF5;
	[smem:$0x3FBB] =	sst s0  }
0x18: {  	s0 =	sld [smem:$0x3F9E];
	_ =	swait.ge [sflag:s4], $0x0  }
0x19: {  	s7 =	sld [smem:$0x3F9F]  }
0x1a: {  	s8 =	sadd.s32 $0xFFFFE003, lr  }
0x1b: {  	s9 =	sadd.s32 $0xFFFFFEF7, lr;
	s5 =	simm.s32 $0xFFFFFFFF;
	p2 =	slt.u32 s8, $0xFFFFF086  }
0x1c: {  	p1 =	slt.u32 s9, $0xF7A;
	s5 =	simm.s32 @!p2 $0x0  }
0x1d: {  	s5 =	simm.s32 @p1 $0x1;
	p0 =	seq.s32 s7, s2  }
0x1e: {  	s7 =	smul.u32 @!p0 $0xF7A, s2;
	p2 =	seq.s32 @!p0 s5, $0x0  }
0x1f: {  	s9 =	smul.u32 $0xF7A, s1;
	s8 =	simm.s32 @!p0 $0x1BF5;
	p2 =	por !p2, p0  }
0x20: {  	[sflag:s8] =	ssyncset.s32 @!p0 $0xFFFFF086;
	s6 =	sadd.s32 @!p0 s3, s7;
	s7 =	simm.s32 @!p0 $0x108  }
0x21: {  	s3 =	sadd.s32 s3, s9;
	s6 =	sadd.s32 @!p0 $0x88, s6;
	s7 =	simm.s32 @p2 $0x1082  }
0x22: {  	[simem:s7], [sflag:s8] =	dma.local @!p0 [hbm:s6], $0xF7A  }
0x23: {  	s9 =	sor.u32 $0xD0000000, s2;
	s6 =	simm.s32 $0x108;
	_ =	swait.ge @!p0 [sflag:s8], $0x0  }
0x24: {  	s3 =	sadd.s32 $0x88, s3;
	s6 =	simm.s32 @!p1 $0x1082;
	[sflag:s4] =	ssyncset.s32 $0xFFFFF086  }
0x25: {  	[simem:s6], [sflag:s4] =	dma.local [hbm:s3], $0xF7A  }
0x26: {  	[smem:$0x3F9F] =	sst s1;
	(tag) =	ssettag s2;
	_ =	strace s9  }
0x27: {  	s1 =	sld [smem:$0x3FAF]  }
0x28: {  	s2 =	sld [smem:$0x3FB0]  }
0x29: {  	s4 =	sld [smem:$0x3FB2]  }
0x2a: {  	p0 =	seq.s32 s5, $0x0;
	s5 =	sld [smem:$0x3FB3]  }
0x2b: {  	s6 =	sld [smem:$0x3FB4]  }
0x2c: {  	s7 =	sld [smem:$0x3FB5]  }
0x2d: {  	s3 =	simm.s32 $0x108;
	s8 =	sld [smem:$0x3FB6]  }
0x2e: {  	s3 =	simm.s32 @!p0 $0x1082;
	s9 =	sld [smem:$0x3FB7]  }
0x2f: {  	lr =	sadd.s32 s0, s3;
	s0 =	sld [smem:$0x3FAE]  }
0x30: {  	s3 =	sld [smem:$0x3FB1]  }
0x31: {  	[smem:$0x3FBA] =	sst s10  }
0x32: {  	s10 =	sld [smem:$0x3FB8];
	_ =	sdelay $0x3  }
0x33: {  	p0 =	seq.s32 s10, $0x1;
	s10 =	sld [smem:$0x3FBA];
	_ =	sdelay $0x3  }
0x34: {  	[smem:$0x3FBA] =	sst s10  }
0x35: {  	s10 =	sld [smem:$0x3FB9];
	_ =	sdelay $0x3  }
0x36: {  	p1 =	seq.s32 s10, $0x1;
	s10 =	sld [smem:$0x3FBA];
	_ =	sdelay $0x3  }
0x37: {  	[smem:$0x3FBA] =	sst s10  }
0x38: {  	s10 =	sld [smem:$0x3FBB]  }
0x39: {  	_ = 	snop;
	(pc) =	sbr.ind lr, $3  }
0x3a: {  	_ = 	snop  }
0x3b: {  	_ = 	snop  }
0x3c: {  	p2 =	seq.s32 s10, $0x1;
	s10 =	sld [smem:$0x3FBA]  }
0x3d: {  	_ =	shalt  }
0x3e: {  	_ =	shalt  }
0x3f: {  	_ =	shalt  }
0x40: {  	_ =	shalt  }
0x41: {  	_ =	shalt  }
0x42: {  	_ =	shalt  }
0x43: {  	_ =	shalt  }
0x44: {  	_ =	shalt  }
0x45: {  	_ =	shalt  }
0x46: {  	_ =	shalt  }
0x47: {  	_ =	shalt  }
0x48: {  	_ =	shalt  }
0x49: {  	_ =	shalt  }
0x4a: {  	_ =	shalt  }
0x4b: {  	_ =	shalt  }
0x4c: {  	_ =	shalt  }
0x4d: {  	_ =	shalt  }
0x4e: {  	_ =	shalt  }
0x4f: {  	_ =	shalt  }
0x50: {  	_ =	shalt  }
0x51: {  	_ =	shalt  }
0x52: {  	_ =	shalt  }
0x53: {  	_ =	shalt  }
0x54: {  	_ =	shalt  }
0x55: {  	_ =	shalt  }
0x56: {  	_ =	shalt  }
0x57: {  	_ =	shalt  }
0x58: {  	_ =	shalt  }
0x59: {  	_ =	shalt  }
0x5a: {  	_ =	shalt  }
0x5b: {  	_ =	shalt  }
0x5c: {  	_ =	shalt  }
0x5d: {  	_ =	shalt  }
0x5e: {  	_ =	shalt  }
0x5f: {  	_ =	shalt  }
0x60: {  	_ =	shalt  }
0x61: {  	_ =	shalt  }
0x62: {  	_ =	shalt  }
0x63: {  	_ =	shalt  }
0x64: {  	_ =	shalt  }
0x65: {  	_ =	shalt  }
0x66: {  	_ =	shalt  }
0x67: {  	_ =	shalt  }
0x68: {  	_ =	shalt  }
0x69: {  	_ =	shalt  }
0x6a: {  	_ =	shalt  }
0x6b: {  	_ =	shalt  }
0x6c: {  	_ =	shalt  }
0x6d: {  	_ =	shalt  }
0x6e: {  	_ =	shalt  }
0x6f: {  	_ =	shalt  }
0x70: {  	_ =	shalt  }
0x71: {  	_ =	shalt  }
0x72: {  	_ =	shalt  }
0x73: {  	_ =	shalt  }
0x74: {  	_ =	shalt  }
0x75: {  	_ =	shalt  }
0x76: {  	_ =	shalt  }
0x77: {  	_ =	shalt  }
0x78: {  	_ =	shalt  }
0x79: {  	_ =	shalt  }
0x7a: {  	_ =	shalt  }
0x7b: {  	_ =	shalt  }
0x7c: {  	_ =	shalt  }
0x7d: {  	_ =	shalt  }
0x7e: {  	_ =	shalt  }
0x7f: {  	_ =	shalt  }
0x80: {  	_ =	shalt  }
0x81: {  	_ =	shalt  }
0x82: {  	_ =	shalt  }
0x83: {  	_ =	shalt  }
0x84: {  	_ =	shalt  }
0x85: {  	_ =	shalt  }
0x86: {  	_ =	shalt  }
0x87: {  	_ =	shalt  }
.Lfunc_end0:
.L_simem_size_0:
called_computation_lowered:
.L_overlay_start_0:
0x88: {  	s2 =	sld [smem:$0x3FD9]  }
0x89: {  	s3 =	sld [smem:$0x3FFE];
	_ =	sdelay $0x1  }
0x8a: {  	s1 =	srdreg.scid  }
0x8b: {  	s0 =	sand.u32 $0x1, s1  }
0x8c: {  	s17 =	sshll.u32 s0, $0xA;
	s2 =	sadd.s32 s3, s2  }
0x8d: {  	s2 =	sadd.s32 s2, s17  }
0x8e: {  	[smem:$0x3FC6] =	sst s2  }
0x8f: {  	_ = 	snop  }
0x90: {  	s2 =	sld [smem:$0x3FD0];
	(tm) =	ssettm $0x1  }
0x91: {  	s18 =	sld [smem:$0x3FFB];
	_ =	sdelay $0x3  }
0x92: {  	_ =	strace s18  }
0x93: {  	s3 =	sld [smem:$0x3FFC];
	_ =	sdelay $0x3  }
0x94: {  	_ =	strace s3  }
0x95: {  	s3 =	sld [smem:$0x3FFD];
	_ =	sdelay $0x3  }
0x96: {  	_ =	strace s3  }
0x97: {  	_ =	strace $0x8FFFFFFF  }
0x98: {  	s19 =	sld [smem:$0x3FDB];
	_ =	sdelay $0x1  }
0x99: {  	s4 =	simm.s32 $_scs_section_size  }
0x9a: {  	s5 =	simm.s32 $_size__tile_overlayer_lowered;
	s6 =	simm.s32 $_tile_overlayer_lowered  }
0x9b: {  	s22 =	simm.s32 $0x1BFF;
	s21 =	sshll.u32 s6, $0x1;
	s3 =	sadd.s32 s4, s19  }
0x9c: {  	s7 =	simm.s32 $0x0;
	s20 =	sshll.u32 s5, $0x1;
	s5 =	sadd.s32 s21, s3  }
0x9d: {  	[timem:s7], [sflag:s22] =	dma.local [hbm:s5], s20  }
0x9e: {  	_ =	swait.ge [sflag:s22], s20  }
0x9f: {  	s4 =	ssub.s32 $0x0, s20;
	[sflag:s22] =	ssyncset.done $0x0  }
0xa0: {  	[sflag:s22] =	ssyncadd.s32 s4;
	_ =	sdelay $0x1  }
0xa1: {  	s23 =	simm.s32 $0x1B8B  }
0xa2: {  	_ =	swait.ge [sflag:s23], $0x1  }
0xa3: {  	[sflag:s23] =	ssyncset.done $0x0  }
0xa4: {  	s25 =	simm.s32 $0x1B8E;
	s24 =	sld [smem:$0x3FFE];
	[sflag:s23] =	ssyncadd.s32 $0xFFFFFFFF  }
0xa5: {  	s26 =	simm.s32 $execute0_lowered;
	[smem:$0x3FD2] =	sst s25  }
0xa6: {  	s5 =	sshll.u32 s26, $0x1;
	_ =	strace $0x80000046;
	[dreg:$0x1] =	wrdreg $0xFFFFFFFF  }
0xa7: {  	s28 =	simm.s32 $_size_execute0_lowered;
	s3 =	sadd.s32 s3, s5;
	[dreg:$0x0] =	wrdreg $0x0  }
0xa8: {  	s5 =	sshll.u32 s28, $0x1;
	[dreg:$0x2] =	wrdreg s3  }
0xa9: {  	[dreg:$0x3] =	wrdreg s5  }
0xaa: {  	[dreg:$0x4] =	wrdreg $0xC0  }
0xab: {  	_ =	task [dreg:s7], $0x5FFFF  }
0xac: {  	[dreg:$0x1] =	wrdreg $0xFFFFFFFF  }
0xad: {  	[dreg:$0x0] =	wrdreg $0x60  }
0xae: {  	[dreg:$0x2] =	wrdreg s24  }
0xaf: {  	[dreg:$0x3] =	wrdreg s2  }
0xb0: {  	[dreg:$0x4] =	wrdreg $0x9  }
0xb1: {  	_ =	task.clear_ibuf [dreg:s7], $0x5FFFF;
	_ =	strace $0x90000046  }
0xb2: {  	s29 =	simm.s32 $0x9;
	_ =	strace $0x80000048  }
0xb3: {  	_ =	swait.ge [sflag:s29], $0x1  }
0xb4: {  	[sflag:s29] =	ssyncadd.s32 $0xFFFFFFFF  }
0xb5: {  	_ =	strace $0x90000048  }
0xb6: {  	_ =	sfence  }
0xb7: {  	s30 =	sld [smem:$0x0];
	_ =	sdelay $0x2  }
0xb8: {  	s31 =	sshll.u32 s1, $0xD;
	s1 =	sshrl.u32 s1, $0x2  }
0xb9: {  	s3 =	sand.u32 $0x4000, s31;
	s1 =	sadd.s32 s1, s30  }
0xba: {  	s0 =	sor.u32 s3, s0;
	s1 =	sshll.u32 s1, $0x11  }
0xbb: {  	s0 =	sor.u32 s1, s0  }
0xbc: {  	s0 =	sadd.s32 $0x8F2B, s0  }
0xbd: {  	[sflag:s0] =	ssyncadd.remote.s32 $0x1  }
0xbe: {  	_ =	sfence.sel $0xFFFF  }
0xbf: {  	[dreg:$0x0] =	wrdreg $0xFFFFFFFF;
	(pc) =	sbr.abs _section_cstart, $3  }
0xc0: {  	[dreg:$0x1] =	wrdreg $0xFFFFFFFF  }
0xc1: {  	_ =	task.clear_ibuf [dreg:s7], $0x2FFFF;
	_ =	strace $0x9FFFFFFF  }
0xc2: {  	(tm) =	ssettm $0x7FFFFFFF  }
0xc3: {  	_ =	shalt  }
tec
execute0_lowered:
.L_overlay_start_1:
0x0: {  	(tag) =	ssettag $0x1  }
0x1: {  	s4 =	rddreg [dreg:$0x0]  }
0x2: {  	s5 =	rddreg [dreg:$0x1]  }
0x3: {  	s0 =	rddreg [dreg:$0x2];
	s3 =	srdreg.scid;
	v0 =	vlaneseq.u32  }
0x4: {  	s1 =	stileid.u32;
	s2 =	simm.s32 $0x0;
	s9 =	simm.s32 $0x3;
	v0 =	vmul.u32 $0x88, v0  }
0x5: {  	s10 =	simm.s32 $0x6400;
	s11 =	simm.s32 $0x8400;
	s12 =	simm.s32 $0x100  }
0x6: {  	s13 =	simm.s32 $0xA400;
	s14 =	simm.s32 $0x1;
	s15 =	simm.s32 $0x2;
	v1 =	vadd.s32 $0x880, v0  }
0x7: {  	s3 =	sand.u32 $0x1, s3;
	s6 =	sshll.u32 s1, $0x1;
	[smem:$0x7FF] =	sst s2;
	v2 =	vadd.s32 $0x1100, v0;
	v3 =	vadd.s32 $0x1980, v0;
	v4 =	vadd.s32 $0x7C, v0  }
0x8: {  	s16 =	simm.s32 $0x0;
	s6 =	sor.u32 s3, s6;
	_ =	strace $0x80000047;
	v5 =	vadd.s32 $0x8FC, v0;
	v6 =	vadd.s32 $0x117C, v0;
	v7 =	vadd.s32 $0x19FC, v0  }
0x9: {  	s8 =	ssub.s32 $0x2, s3;
	s3 =	sadd.s32 $0xF42A00, s4;
	s7 =	sshll.u32 s6, $0x4;
	v8 =	vadd.s32 $0x7D, v0;
	v9 =	vadd.s32 $0x8FD, v0;
	v10 =	vadd.s32 $0x117D, v0  }
0xa: {  	s31 =	sshrl.u32 s8, $0x1;
	s6 =	sshll.u32 s6, $0x7;
	v11 =	vadd.s32 $0x19FD, v0;
	v12 =	vadd.s32 $0x7E, v0;
	v13 =	vadd.s32 $0x8FE, v0;
	s4 =	sadd.s32 s7, s4  }
0xb: {  	v14 =	vadd.s32 $0x117E, v0;
	v15 =	vadd.s32 $0x19FE, v0;
	v16 =	vadd.s32 $0x7F, v0;
	s7 =	ssub.s32 s8, s31;
	s5 =	sadd.s32 s5, s6;
	s8 =	simm.s32 $0x1000  }
0xc: {  	v17 =	vadd.s32 $0x8FF, v0;
	v18 =	vadd.s32 $0x117F, v0;
	v19 =	vadd.s32 $0x19FF, v0;
	s4 =	sadd.s32 $0x600, s4;
	s6 =	smax.u32 s7, $0x1;
	s7 =	simm.s32 $0x80  }
.LBB2_1:
0xd: {  	[tilespmem:s2], [sflag:$0x3] =	stream.strided.gather [hbm4b:s4+s7], $0x6400, s8, s7, $0x38;
	[tilespmem:$0x16C00] =	vst v63  }
0xe: {  	_ =	swait.ge [sflag:s9], $0x6400  }
0xf: {  	[sflag:s9] =	ssyncset.done $0x0  }
0x10: {  	[sflag:s9] =	ssyncadd.s32 $0xFFFF9C00  }
0x11: {  	[tilespmem:s10], [sflag:$0x1] =	stream.indirect.gather [hbm4b:s3+s7], $0x40, s2, s7, $0xb8;
	[tilespmem:$0x16C00] =	vst v63  }
0x12: {  	_ = 	snop  }
0x13: {  	[tilespmem:s11], [sflag:$0x1] =	stream.indirect.gather [hbm4b:s3+s7], $0x40, s7, s7, $0xb8;
	[tilespmem:$0x16C00] =	vst v63  }
0x14: {  	s17 =	simm.s32 $0x0;
	s18 =	simm.s32 $0x0  }
0x15: {  	[tilespmem:s13], [sflag:$0x1] =	stream.indirect.gather [hbm4b:s3+s7], $0x40, s12, s7, $0xb8;
	[tilespmem:$0x16C00] =	vst v63  }
.LBB2_2:
0x16: {  	p0 =	sgt.u32 s18, $0xC4  }
0x17: {  	_ =	swait.ge [sflag:s14], $0x2000;
	s19 =	sadd.s32 @!p0 $0x3, s18  }
0x18: {  	[sflag:s14] =	ssyncset.done $0x0;
	s21 =	simm.s32 @!p0 $0x80;
	s20 =	sshll.u32 @!p0 s19, $0xD  }
0x19: {  	p1 =	slt.u32 @!p0 s18, $0x4;
	s19 =	sshll.u32 @!p0 s19, $0x7;
	s20 =	sand.u32 @!p0 $0x6000, s20  }
0x1a: {  	[sflag:s14] =	ssyncadd.s32 $0xFFFFE000;
	s19 =	sand.u32 @!p0 $0x3FFFFF80, s19;
	s20 =	sadd.s32 @!p0 $0x6400, s20  }
0x1b: {  	[tilespmem:s20], [sflag:$0x1] =	stream.indirect.gather @!p0 [hbm4b:s3+s21], $0x40, s19, s21, $0xb8;
	[tilespmem:$0x16C00] =	vst v63  }
0x1c: {  	p0 =	por p0, !p1  }
0x1d: {  	_ =	swait.ge @p0 [sflag:s15], $0x2000  }
0x1e: {  	s29 =	sand.u32 $0x3, s17;
	s30 =	sand.u32 $0x3, s18;
	[sflag:s15] =	ssyncset.done @p0 $0x0  }
0x1f: {  	s22 =	smul.u32 $0x8800, s29;
	s20 =	sshll.u32 s30, $0xD;
	[sflag:s15] =	ssyncadd.s32 @p0 $0xFFFFE000  }
0x20: {  	s23 =	smul.u32 $0x8800, s30;
	v20 =	vld [tilespmem:s20+$0x6400]  }
0x21: {  	s31 =	sshrl.u32 s22, $0x2;
	v21 =	vld [tilespmem:s20+$0x6410]  }
0x22: {  	s23 =	sshrl.u32 s23, $0x2;
	s19 =	sadd.s32 $0xE400, s31;
	s21 =	sshll.u32 s29, $0xD;
	v22 =	vld [tilespmem:s20+$0x6420]  }
0x23: {  	s22 =	sadd.s32 $0x64A0, s21;
	s21 =	sadd.s32 $0xE400, s23;
	s23 =	simm.s32 $0x0;
	v23 =	vld [tilespmem:s20+$0x6430]  }
.LBB2_3:
0x24: {  	v24 =	vmov s23  }
0x25: {  	v24 =	vand.u32 $0x7C, v24  }
0x26: {  	v25 =	vadd.s32 v0, v24  }
0x27: {  	v27 =	vadd.s32 v1, v24  }
0x28: {  	v26 =	vld [tilespmem:s22+$0xFFFFFFA0];
	v29 =	vadd.s32 v2, v24  }
0x29: {  	v28 =	vld [tilespmem:s22+$0xFFFFFFB0];
	v24 =	vadd.s32 v3, v24  }
0x2a: {  	v30 =	vld [tilespmem:s22+$0xFFFFFFC0];
	s24 =	sadd.s32 $0x1, s23  }
0x2b: {  	v31 =	vld [tilespmem:s22+$0xFFFFFFD0];
	[tilespmem:v25+s21+$0x0] =	vst.idx.msk $0xffff, v20;
	v20 =	vmov s24  }
0x2c: {  	[tilespmem:v27+s21+$0x0] =	vst.idx.msk $0xffff, v21;
	v20 =	vand.u32 $0x7D, v20  }
0x2d: {  	[tilespmem:v29+s21+$0x0] =	vst.idx.msk $0xffff, v22;
	v21 =	vadd.s32 v0, v20  }
0x2e: {  	[tilespmem:v24+s21+$0x0] =	vst.idx.msk $0xffff, v23;
	v23 =	vadd.s32 v1, v20  }
0x2f: {  	v58 =	vadd.s32 v2, v20;
	v22 =	vld [tilespmem:s22+$0xFFFFFFE0]  }
0x30: {  	v20 =	vadd.s32 v3, v20;
	v24 =	vld [tilespmem:s22+$0xFFFFFFF0]  }
0x31: {  	v27 =	vld [tilespmem:s22+$0x0]  }
0x32: {  	s30 =	sadd.s32 $0x2, s23;
	v29 =	vld [tilespmem:s22+$0x10];
	[tilespmem:v21+s21+$0x0] =	vst.idx.msk $0xffff, v26  }
0x33: {  	v21 =	vmov s30;
	[tilespmem:v23+s21+$0x0] =	vst.idx.msk $0xffff, v28  }
0x34: {  	v21 =	vand.u32 $0x7E, v21;
	[tilespmem:v58+s21+$0x0] =	vst.idx.msk $0xffff, v30  }
0x35: {  	[tilespmem:v20+s21+$0x0] =	vst.idx.msk $0xffff, v31;
	v20 =	vadd.s32 v0, v21  }
0x36: {  	v23 =	vadd.s32 v1, v21  }
0x37: {  	v59 =	vadd.s32 v2, v21;
	v25 =	vld [tilespmem:s22+$0x20]  }
0x38: {  	v21 =	vadd.s32 v3, v21;
	v26 =	vld [tilespmem:s22+$0x30]  }
0x39: {  	s31 =	sadd.s32 $0x3, s23;
	v30 =	vld [tilespmem:s22+$0x40]  }
0x3a: {  	v31 =	vld [tilespmem:s22+$0x50];
	[tilespmem:v20+s21+$0x0] =	vst.idx.msk $0xffff, v22;
	v20 =	vmov s31  }
0x3b: {  	[tilespmem:v23+s21+$0x0] =	vst.idx.msk $0xffff, v24;
	v23 =	vand.u32 $0x7F, v20  }
0x3c: {  	[tilespmem:v59+s21+$0x0] =	vst.idx.msk $0xffff, v27;
	v60 =	vadd.s32 v0, v23  }
0x3d: {  	v61 =	vadd.s32 v1, v23;
	[tilespmem:v21+s21+$0x0] =	vst.idx.msk $0xffff, v29  }
0x3e: {  	v62 =	vadd.s32 v2, v23;
	v20 =	vld [tilespmem:s22+$0x60]  }
0x3f: {  	p0 =	slt.u32 s23, $0x78;
	v63 =	vadd.s32 v3, v23;
	v21 =	vld [tilespmem:s22+$0x70]  }
.Ltmp0:
0x40: {  	v22 =	vld [tilespmem:s22+$0x80];
	(pc) =	sbr.rel @p0 .LBB2_3-.Ltmp0, $4  }
0x41: {  	v23 =	vld [tilespmem:s22+$0x90];
	[tilespmem:v60+s21+$0x0] =	vst.idx.msk $0xffff, v25  }
0x42: {  	[tilespmem:v61+s21+$0x0] =	vst.idx.msk $0xffff, v26  }
0x43: {  	[tilespmem:v62+s21+$0x0] =	vst.idx.msk $0xffff, v30  }
0x44: {  	s23 =	sadd.s32 $0x4, s23;
	s22 =	sadd.s32 $0x100, s22;
	[tilespmem:v63+s21+$0x0] =	vst.idx.msk $0xffff, v31  }
0x45: {  	_ = 	snop  }
0x46: {  	v24 =	vld [tilespmem:s20+$0x8340]  }
0x47: {  	v25 =	vld [tilespmem:s20+$0x8350]  }
0x48: {  	v26 =	vld [tilespmem:s20+$0x8360]  }
0x49: {  	v27 =	vld [tilespmem:s20+$0x8370];
	[tilespmem:v4+s21+$0x0] =	vst.idx.msk $0xffff, v20  }
0x4a: {  	[tilespmem:v5+s21+$0x0] =	vst.idx.msk $0xffff, v21  }
0x4b: {  	[tilespmem:v6+s21+$0x0] =	vst.idx.msk $0xffff, v22  }
0x4c: {  	[tilespmem:v7+s21+$0x0] =	vst.idx.msk $0xffff, v23  }
0x4d: {  	v20 =	vld [tilespmem:s20+$0x8380]  }
0x4e: {  	v21 =	vld [tilespmem:s20+$0x8390]  }
0x4f: {  	v22 =	vld [tilespmem:s20+$0x83A0]  }
0x50: {  	v23 =	vld [tilespmem:s20+$0x83B0];
	[tilespmem:v8+s21+$0x0] =	vst.idx.msk $0xffff, v24  }
0x51: {  	[tilespmem:v9+s21+$0x0] =	vst.idx.msk $0xffff, v25  }
0x52: {  	[tilespmem:v10+s21+$0x0] =	vst.idx.msk $0xffff, v26  }
0x53: {  	[tilespmem:v11+s21+$0x0] =	vst.idx.msk $0xffff, v27  }
0x54: {  	v24 =	vld [tilespmem:s20+$0x83C0]  }
0x55: {  	v25 =	vld [tilespmem:s20+$0x83D0]  }
0x56: {  	v26 =	vld [tilespmem:s20+$0x83E0]  }
0x57: {  	v27 =	vld [tilespmem:s20+$0x83F0];
	[tilespmem:v12+s21+$0x0] =	vst.idx.msk $0xffff, v20  }
0x58: {  	[tilespmem:v13+s21+$0x0] =	vst.idx.msk $0xffff, v21  }
0x59: {  	[tilespmem:v14+s21+$0x0] =	vst.idx.msk $0xffff, v22  }
0x5a: {  	[tilespmem:v15+s21+$0x0] =	vst.idx.msk $0xffff, v23  }
0x5b: {  	[tilespmem:v16+s21+$0x0] =	vst.idx.msk $0xffff, v24  }
0x5c: {  	[tilespmem:v17+s21+$0x0] =	vst.idx.msk $0xffff, v25  }
0x5d: {  	s28 =	sshll.u32 s18, $0xF;
	[tilespmem:v18+s21+$0x0] =	vst.idx.msk $0xffff, v26  }
0x5e: {  	s23 =	sadd.s32 $0x0, s19;
	s20 =	sadd.s32 s28, s5;
	[tilespmem:v19+s21+$0x0] =	vst.idx.msk $0xffff, v27  }
0x5f: {  	[hbm4b:s20+s2] =	stream.linear.scatter [tilespmem:s23], [sflag:$0x2], $0x80, $0x38;
	[tilespmem:$0x16C00] =	vst v63  }
0x60: {  	s29 =	sadd.s32 $0x88, s23;
	s22 =	sadd.s32 $0x10, s20  }
0x61: {  	[hbm4b:s22+s2] =	stream.linear.scatter [tilespmem:s29], [sflag:$0x2], $0x80, $0x38;
	[tilespmem:$0x16C00] =	vst v63  }
0x62: {  	s30 =	sadd.s32 $0x110, s23;
	s25 =	sadd.s32 $0x220, s23;
	s31 =	sadd.s32 $0x20, s20  }
0x63: {  	[hbm4b:s31+s2] =	stream.linear.scatter [tilespmem:s30], [sflag:$0x2], $0x80, $0x38;
	[tilespmem:$0x16C00] =	vst v63  }
0x64: {  	s28 =	sadd.s32 $0x2A8, s23;
	s24 =	sadd.s32 $0x30, s20;
	s22 =	sadd.s32 $0x198, s23  }
0x65: {  	[hbm4b:s24+s2] =	stream.linear.scatter [tilespmem:s22], [sflag:$0x2], $0x80, $0x38;
	[tilespmem:$0x16C00] =	vst v63  }
0x66: {  	s26 =	sadd.s32 $0x40, s20;
	s21 =	simm.s32 $0x440;
	s29 =	sadd.s32 $0x50, s20  }
0x67: {  	[hbm4b:s26+s2] =	stream.linear.scatter [tilespmem:s25], [sflag:$0x2], $0x80, $0x38;
	[tilespmem:$0x16C00] =	vst v63  }
0x68: {  	s30 =	sadd.s32 $0x330, s23;
	s31 =	sadd.s32 $0x60, s20;
	s23 =	sadd.s32 $0x3B8, s23  }
0x69: {  	[hbm4b:s29+s2] =	stream.linear.scatter [tilespmem:s28], [sflag:$0x2], $0x80, $0x38;
	[tilespmem:$0x16C00] =	vst v63  }
0x6a: {  	s22 =	simm.s32 $0x2200;
	s24 =	sadd.s32 $0x70, s20;
	s20 =	sadd.s32 $0x1000, s20  }
0x6b: {  	[hbm4b:s31+s2] =	stream.linear.scatter [tilespmem:s30], [sflag:$0x2], $0x80, $0x38;
	[tilespmem:$0x16C00] =	vst v63  }
.LBB2_5:
0x6c: {  	[hbm4b:s24+s2] =	stream.linear.scatter [tilespmem:s23], [sflag:$0x2], $0x80, $0x38;
	[tilespmem:$0x16C00] =	vst v63  }
0x6d: {  	s23 =	smov.u32 s22  }
0x6e: {  	s25 =	sadd.s32 $0x1100, s22;
	s24 =	sadd.s32 s21, s19;
	s21 =	sshra.s32 s23, $0x2  }
0x6f: {  	[hbm4b:s20+s2] =	stream.linear.scatter [tilespmem:s24], [sflag:$0x2], $0x80, $0x38;
	[tilespmem:$0x16C00] =	vst v63  }
0x70: {  	p0 =	sne.s32 s22, $0x7700;
	s22 =	sadd.s32 $0x88, s24;
	s23 =	sadd.s32 $0x10, s20  }
0x71: {  	[hbm4b:s23+s2] =	stream.linear.scatter [tilespmem:s22], [sflag:$0x2], $0x80, $0x38;
	[tilespmem:$0x16C00] =	vst v63  }
0x72: {  	s22 =	sadd.s32 $0x110, s24;
	s23 =	sadd.s32 $0x20, s20  }
0x73: {  	[hbm4b:s23+s2] =	stream.linear.scatter [tilespmem:s22], [sflag:$0x2], $0x80, $0x38;
	[tilespmem:$0x16C00] =	vst v63  }
0x74: {  	s22 =	sadd.s32 $0x198, s24;
	s23 =	sadd.s32 $0x30, s20  }
0x75: {  	[hbm4b:s23+s2] =	stream.linear.scatter [tilespmem:s22], [sflag:$0x2], $0x80, $0x38;
	[tilespmem:$0x16C00] =	vst v63  }
0x76: {  	s22 =	sadd.s32 $0x220, s24;
	s23 =	sadd.s32 $0x40, s20  }
0x77: {  	[hbm4b:s23+s2] =	stream.linear.scatter [tilespmem:s22], [sflag:$0x2], $0x80, $0x38;
	[tilespmem:$0x16C00] =	vst v63  }
0x78: {  	s22 =	sadd.s32 $0x2A8, s24;
	s23 =	sadd.s32 $0x50, s20  }
0x79: {  	[hbm4b:s23+s2] =	stream.linear.scatter [tilespmem:s22], [sflag:$0x2], $0x80, $0x38;
	[tilespmem:$0x16C00] =	vst v63  }
.Ltmp1:
0x7a: {  	_ = 	snop;
	(pc) =	sbr.rel @p0 .LBB2_5-.Ltmp1, $4  }
0x7b: {  	s22 =	sadd.s32 $0x330, s24;
	s23 =	sadd.s32 $0x60, s20  }
0x7c: {  	[hbm4b:s23+s2] =	stream.linear.scatter [tilespmem:s22], [sflag:$0x2], $0x80, $0x38;
	[tilespmem:$0x16C00] =	vst v63  }
0x7d: {  	s23 =	sadd.s32 $0x3B8, s24  }
0x7e: {  	s24 =	sadd.s32 $0x70, s20;
	s20 =	sadd.s32 $0x1000, s20;
	s22 =	smov.u32 s25  }
0x7f: {  	[hbm4b:s24+s2] =	stream.linear.scatter [tilespmem:s23], [sflag:$0x2], $0x80, $0x38;
	[tilespmem:$0x16C00] =	vst v63  }
0x80: {  	s19 =	sadd.s32 s21, s19  }
0x81: {  	[hbm4b:s20+s2] =	stream.linear.scatter [tilespmem:s19], [sflag:$0x2], $0x80, $0x38;
	[tilespmem:$0x16C00] =	vst v63  }
0x82: {  	s22 =	sadd.s32 $0x10, s20;
	s21 =	sadd.s32 $0x88, s19  }
0x83: {  	[hbm4b:s22+s2] =	stream.linear.scatter [tilespmem:s21], [sflag:$0x2], $0x80, $0x38;
	[tilespmem:$0x16C00] =	vst v63  }
0x84: {  	s31 =	sadd.s32 $0x20, s20;
	s30 =	sadd.s32 $0x110, s19  }
0x85: {  	[hbm4b:s31+s2] =	stream.linear.scatter [tilespmem:s30], [sflag:$0x2], $0x80, $0x38;
	[tilespmem:$0x16C00] =	vst v63  }
0x86: {  	s23 =	sadd.s32 $0x30, s20;
	s22 =	sadd.s32 $0x198, s19  }
0x87: {  	[hbm4b:s23+s2] =	stream.linear.scatter [tilespmem:s22], [sflag:$0x2], $0x80, $0x38;
	[tilespmem:$0x16C00] =	vst v63  }
0x88: {  	s25 =	sadd.s32 $0x40, s20;
	s18 =	sadd.s32 $0x1, s18;
	s24 =	sadd.s32 $0x220, s19  }
0x89: {  	[hbm4b:s25+s2] =	stream.linear.scatter [tilespmem:s24], [sflag:$0x2], $0x80, $0x38;
	[tilespmem:$0x16C00] =	vst v63  }
0x8a: {  	s28 =	sadd.s32 $0x50, s20;
	s26 =	sadd.s32 $0x2A8, s19;
	p0 =	sne.s32 s18, $0xC8  }
0x8b: {  	[hbm4b:s28+s2] =	stream.linear.scatter [tilespmem:s26], [sflag:$0x2], $0x80, $0x38;
	[tilespmem:$0x16C00] =	vst v63  }
.Ltmp2:
0x8c: {  	_ = 	snop;
	(pc) =	sbr.rel @p0 .LBB2_2-.Ltmp2, $4  }
0x8d: {  	s29 =	sadd.s32 $0x330, s19;
	s30 =	sadd.s32 $0x60, s20  }
0x8e: {  	[hbm4b:s30+s2] =	stream.linear.scatter [tilespmem:s29], [sflag:$0x2], $0x80, $0x38;
	[tilespmem:$0x16C00] =	vst v63  }
0x8f: {  	s17 =	sadd.s32 $0x1, s17;
	s19 =	sadd.s32 $0x3B8, s19;
	s31 =	sadd.s32 $0x70, s20  }
0x90: {  	[hbm4b:s31+s2] =	stream.linear.scatter [tilespmem:s19], [sflag:$0x2], $0x80, $0x38;
	[tilespmem:$0x16C00] =	vst v63  }
0x91: {  	_ =	swait.ge [sflag:s15], $0x2000  }
0x92: {  	[sflag:s15] =	ssyncset.done $0x0  }
0x93: {  	[sflag:s15] =	ssyncadd.s32 $0xFFFFE000  }
0x94: {  	_ =	swait.ge [sflag:s15], $0x2000  }
0x95: {  	[sflag:s15] =	ssyncset.done $0x0  }
0x96: {  	s16 =	sadd.s32 $0x1, s16;
	[sflag:s15] =	ssyncadd.s32 $0xFFFFE000  }
0x97: {  	p0 =	sne.s32 s16, s6;
	_ =	swait.ge [sflag:s15], $0x2000  }
.Ltmp3:
0x98: {  	[sflag:s15] =	ssyncset.done $0x0;
	(pc) =	sbr.rel @p0 .LBB2_1-.Ltmp3, $4  }
0x99: {  	[sflag:s15] =	ssyncadd.s32 $0xFFFFE000  }
0x9a: {  	_ =	swait.ge [sflag:s15], $0x2000  }
0x9b: {  	[sflag:s15] =	ssyncset.done $0x0  }
0x9c: {  	[sflag:s15] =	ssyncadd.s32 $0xFFFFE000  }
0x9d: {  	_ =	sfence.sel $0x180000  }
0x9e: {  	[bflag:$0x0] =	sbarrier.arrive $0xFFFF  }
0x9f: {  	p0 =	sne.s32 s1, $0x0;
	_ =	strace $0x90000047  }
0xa0: {  	s0 =	sadd.s32 @!p0 $0x100000, s0;
	[bflag:$0x2] =	sbarrier.arrive $0xFFFF  }
0xa1: {  	[sflag:s0] =	ssyncadd.tile.s32 @!p0 $0x1;
	_ =	shalt  }
.Lfunc_end2:
_tile_overlayer_lowered:
.L_overlay_start_2:
0xa2: {  	(tag) =	ssettag $0x2  }
0xa3: {  	s0 =	rddreg [dreg:$0x0];
	s2 =	stileid.u32  }
0xa4: {  	s1 =	rddreg [dreg:$0x1];
	p0 =	sne.s32 s2, $0x0  }
0xa5: {  	s3 =	rddreg [dreg:$0x2];
	[bflag:$0x3] =	sbarrier.arrive $0xFFFF;
	s2 =	simm.s32 @!p0 $0x1C03  }
0xa6: {  	[timem:s3], [sflag:s2] =	dma.local @!p0 [hbm:s0], s1  }
0xa7: {  	s0 =	simm.s32 @!p0 $0x3  }
0xa8: {  	_ =	swait.ge @!p0 [sflag:s0], s1  }
0xa9: {  	s1 =	ssub.s32 @!p0 $0x0, s1;
	[sflag:s0] =	ssyncset.done @!p0 $0x0  }
0xaa: {  	[sflag:s0] =	ssyncadd.s32 @!p0 s1  }
0xab: {  	[bflag:$0x3] =	sbarrier.arrive $0xFFFF  }
0xac: {  	_ =	shalt  }

</sc_bundles>
